<compile_context>
chip_gen: v7x
topology: tpu7x:2x2x1
jax: 0.10.2.dev20260603
libtpu: 0.0.44.dev20260713+nightly
codegen_flags: <defaults>
</compile_context>

<pallas_src>
import jax
import jax.numpy as jnp
from jax import lax
from jax.experimental import pallas as pl
from jax.experimental.pallas import tpu as pltpu
from jax.experimental.pallas import tpu_sc as plsc

_EPS = 1e-05
_IOU_THR = 0.5
_NP = 5120
_NG = 512
_NEG = -jnp.inf
_IMIN = -2147483648
_NSUB = 16
_NCORE = 2
_CHUNK = _NP // _NSUB
_HALF = _NG // _NCORE
_GPW = _HALF // _NSUB


def _tc1_body(pred_ref, gt_ref, chosen_ref, cand_ref, ck_ref, cnt_ref):
    p = pred_ref[...]
    g = gt_ref[...]
    px1 = p[0:1, :]; py1 = p[1:2, :]; px2 = p[2:3, :]; py2 = p[3:4, :]
    prob = p[4:5, :]; plab = p[5:6, :]
    gx1 = g[:, 0:1]; gy1 = g[:, 1:2]; gx2 = g[:, 2:3]; gy2 = g[:, 3:4]
    glab = g[:, 4:5]
    area_p = (px2 - px1) * (py2 - py1)
    area_g = (gx2 - gx1) * (gy2 - gy1)
    w = jnp.maximum(jnp.minimum(gx2, px2) - jnp.maximum(gx1, px1), 0.0)
    h = jnp.maximum(jnp.minimum(gy2, py2) - jnp.maximum(gy1, py1), 0.0)
    inter = w * h
    iou = inter / (area_g + area_p - inter + 1e-12)
    rowid = jax.lax.broadcasted_iota(jnp.int32, (_NG, _NP), 0)
    mcls = glab == plab
    iou_m = jnp.where(mcls, iou, 0.0)
    maxv = jnp.max(iou_m, axis=0, keepdims=True)
    chosen = jnp.min(jnp.where(iou_m == maxv, rowid, _NG), axis=0, keepdims=True)
    cand = (plab >= 1.0) & (maxv > _IOU_THR)
    chosen_ref[...] = chosen
    cand_ref[...] = cand.astype(jnp.int32)
    pli = plab.astype(jnp.int32)
    kb = jax.lax.bitcast_convert_type(prob, jnp.int32)
    ck_ref[...] = ((pli << 30) + kb) ^ _IMIN
    lane16 = jax.lax.broadcasted_iota(jnp.int32, (1, 16), 1)
    cnt = jnp.zeros((1, 16), jnp.float32)
    for ci, c in enumerate((1.0, 2.0, 3.0)):
        num_gt = jnp.sum((glab == c).astype(jnp.float32))
        nmem = jnp.sum((plab == c).astype(jnp.float32))
        cnt = cnt + jnp.where(lane16 == ci, num_gt, 0.0)
        cnt = cnt + jnp.where(lane16 == ci + 3, nmem, 0.0)
    cnt_ref[...] = cnt


def _sc_body(chosen_hbm, cand_hbm, ck_hbm,
             ckw_hbm, widx_hbm, r_hbm,
             ch_v, cand_v, ckall_v,
             ckloc, widxloc, tmpc, tmpw, cfin, wfin, r_v,
             ck_sh, widx_sh):
    s = lax.axis_index("s")
    c = lax.axis_index("c")
    lo = c * _HALF
    pbase = s * _CHUNK
    lane = lax.broadcasted_iota(jnp.int32, (16,), 0)

    pltpu.sync_copy(chosen_hbm.at[pl.ds(pbase, _CHUNK)],
                    ch_v.at[pl.ds(0, _CHUNK)])
    pltpu.sync_copy(cand_hbm.at[pl.ds(pbase, _CHUNK)],
                    cand_v.at[pl.ds(0, _CHUNK)])
    pltpu.sync_copy(ck_hbm.at[:], ckall_v.at[pl.ds(0, _NP)])

    def _init(j, _):
        ckloc[pl.ds(j * 16, 16)] = jnp.full((16,), _IMIN, jnp.int32)
        widxloc[pl.ds(j * 16, 16)] = jnp.full((16,), _NP, jnp.int32)
        return 0
    lax.fori_loop(0, (_HALF + 16) // 16, _init, 0)

    def _scan(i, _):
        g = ch_v[pl.ds(i, 16)][0]
        ok = cand_v[pl.ds(i, 16)][0] == 1
        myidx = pbase + i
        ckp = ckall_v[pl.ds(jnp.clip(myidx, 0, _NP - 1), 16)][0]
        gl = g - lo
        inhalf = (gl >= 0) & (gl < _HALF)
        glc = jnp.clip(gl, 0, _HALF - 1)
        curm = ckloc[pl.ds(glc, 16)]
        curw = widxloc[pl.ds(glc, 16)]
        c0m = curm[0]
        c0w = curw[0]
        take = ok & inhalf & ((ckp > c0m) | ((ckp == c0m) & (myidx < c0w)))
        newm = jnp.where(take, ckp, c0m)
        neww = jnp.where(take, myidx, c0w)
        ckloc[pl.ds(glc, 16)] = jnp.where(lane == 0, newm, curm)
        widxloc[pl.ds(glc, 16)] = jnp.where(lane == 0, neww, curw)
        return 0
    lax.fori_loop(0, _CHUNK, _scan, 0)

    pltpu.sync_copy(ckloc.at[pl.ds(0, _HALF)],
                    ck_sh.at[pl.ds(s * _HALF, _HALF)])
    pltpu.sync_copy(widxloc.at[pl.ds(0, _HALF)],
                    widx_sh.at[pl.ds(s * _HALF, _HALF)])
    plsc.subcore_barrier()

    glo = s * _GPW
    def _merge(t, carry):
        macc, wacc = carry
        pltpu.sync_copy(ck_sh.at[pl.ds(t * _HALF + glo, _GPW)], tmpc)
        pltpu.sync_copy(widx_sh.at[pl.ds(t * _HALF + glo, _GPW)], tmpw)
        mv = tmpc[...]
        wv = tmpw[...]
        take = (mv > macc) | ((mv == macc) & (wv < wacc))
        return (jnp.where(take, mv, macc), jnp.where(take, wv, wacc))
    macc, wacc = lax.fori_loop(
        0, _NSUB, _merge,
        (jnp.full((_GPW,), _IMIN, jnp.int32), jnp.full((_GPW,), _NP, jnp.int32)))
    cfin[pl.ds(0, _GPW)] = macc
    wfin[pl.ds(0, _GPW)] = wacc
    pltpu.sync_copy(cfin.at[pl.ds(0, _GPW)], ckw_hbm.at[pl.ds(lo + glo, _GPW)])
    pltpu.sync_copy(wfin.at[pl.ds(0, _GPW)], widx_hbm.at[pl.ds(lo + glo, _GPW)])

    def _per_gt(t, _):
        wg_s = wfin[pl.ds(t, 16)][0]
        ckg_s = cfin[pl.ds(t, 16)][0]
        cls = ((ckg_s ^ _IMIN) >> 30) & 3
        ub_s = jnp.where(cls == 3, jnp.int32(2147483647),
                         ((cls + 1) << 30) ^ _IMIN)
        ckg = jnp.zeros((16,), jnp.int32) + ckg_s
        wg = jnp.zeros((16,), jnp.int32) + wg_s
        ub = jnp.zeros((16,), jnp.int32) + ub_s

        def _count(j, acc):
            ck16 = ckall_v[pl.ds(j * 16, 16)]
            idx16 = lane + j * 16
            beats = ((ck16 > ckg) & (ck16 < ub)) | \
                    ((ck16 == ckg) & (idx16 < wg))
            return acc + jnp.where(beats, 1.0, 0.0)

        acc = lax.fori_loop(0, _NP // 16, _count,
                            jnp.zeros((16,), jnp.float32))
        r_v[pl.ds(t * 16, 16)] = acc
        return 0
    lax.fori_loop(0, _GPW, _per_gt, 0)
    pltpu.sync_copy(r_v.at[pl.ds(0, _GPW * 16)],
                    r_hbm.at[pl.ds((lo + glo) * 16, _GPW * 16)])


def _tc2_body(ckc_ref, ckr_ref, wc_ref, wr_ref, glc_ref, rc_ref,
              cnt_ref, tpts_ref, out_ref):
    ck = ckc_ref[...]
    ckt = ckr_ref[...]
    wc = wc_ref[...]
    wt = wr_ref[...]
    gl = glc_ref[...]
    r = jnp.sum(rc_ref[...], axis=1, keepdims=True)
    cnt = cnt_ref[...]
    tpts = tpts_ref[...]
    exists = wc < jnp.float32(_NP)
    existst = wt < jnp.float32(_NP)
    clsc = ((ck ^ _IMIN) >> 30) & 3
    clst = ((ckt ^ _IMIN) >> 30) & 3
    betterw = existst & (clst == clsc) & (
        (ckt > ck) | ((ckt == ck) & (wt < wc)))
    k = 1.0 + jnp.sum(betterw.astype(jnp.float32), axis=1, keepdims=True)
    prec = k / (r + 1.0 + _EPS)
    total = jnp.float32(0.0)
    for ci, c in enumerate((1.0, 2.0, 3.0)):
        num_gt = cnt[0, ci]
        nmem = cnt[0, ci + 3]
        recall = k / (num_gt + _EPS)
        elig = (exists & (gl == c)) & (recall >= tpts)
        pmax = jnp.max(jnp.where(elig, prec, _NEG), axis=0, keepdims=True)
        any_e = jnp.max(elig.astype(jnp.float32), axis=0, keepdims=True) > 0
        ap = jnp.sum(jnp.where(any_e, pmax, 0.0)) / 11.0
        valid = (nmem > 0) & (num_gt > 0)
        total = total + jnp.where(valid, ap, 0.0)
    out_ref[...] = jnp.broadcast_to(total / 3.0, (1, 128))


_sc_mesh = plsc.VectorSubcoreMesh(core_axis_name="c", subcore_axis_name="s")

_sc_call = pl.kernel(
    _sc_body,
    out_type=[
        jax.ShapeDtypeStruct((_NG,), jnp.int32),
        jax.ShapeDtypeStruct((_NG,), jnp.int32),
        jax.ShapeDtypeStruct((_NG * 16,), jnp.float32),
    ],
    mesh=_sc_mesh,
    scratch_types=[
        pltpu.VMEM((_CHUNK + 16,), jnp.int32),
        pltpu.VMEM((_CHUNK + 16,), jnp.int32),
        pltpu.VMEM((_NP + 16,), jnp.int32),
        pltpu.VMEM((_HALF + 16,), jnp.int32),
        pltpu.VMEM((_HALF + 16,), jnp.int32),
        pltpu.VMEM((_GPW,), jnp.int32),
        pltpu.VMEM((_GPW,), jnp.int32),
        pltpu.VMEM((_GPW + 16,), jnp.int32),
        pltpu.VMEM((_GPW + 16,), jnp.int32),
        pltpu.VMEM((_GPW * 16,), jnp.float32),
        pltpu.VMEM_SHARED((_NSUB * _HALF,), jnp.int32),
        pltpu.VMEM_SHARED((_NSUB * _HALF,), jnp.int32),
    ],
)


def kernel(pred_labels, class_probits, pred_boxes, gt_labels, gt_boxes):
    np0 = pred_boxes.shape[0]
    ng0 = gt_boxes.shape[0]
    pred = jnp.zeros((8, _NP), jnp.float32)
    pred = pred.at[0:4, :np0].set(pred_boxes.T.astype(jnp.float32))
    pred = pred.at[4, :np0].set(class_probits.astype(jnp.float32))
    pred = pred.at[5, :np0].set(pred_labels.astype(jnp.float32))
    gt = jnp.zeros((_NG, 8), jnp.float32)
    gt = gt.at[:ng0, 0:4].set(gt_boxes.astype(jnp.float32))
    gt = gt.at[:ng0, 4].set(gt_labels.astype(jnp.float32))
    gt = gt.at[ng0:, 4].set(-2.0)
    tpts = jnp.full((1, 16), 2.0, jnp.float32)
    tpts = tpts.at[0, :11].set(jnp.arange(0.0, 1.1, 0.1, dtype=jnp.float32))

    chosen, cand, ck, cnt = pl.pallas_call(
        _tc1_body,
        out_shape=[
            jax.ShapeDtypeStruct((1, _NP), jnp.int32),
            jax.ShapeDtypeStruct((1, _NP), jnp.int32),
            jax.ShapeDtypeStruct((1, _NP), jnp.int32),
            jax.ShapeDtypeStruct((1, 16), jnp.float32),
        ],
    )(pred, gt)

    glab1 = gt[:, 4]
    ckw, widx, r = _sc_call(
        chosen.reshape(_NP), cand.reshape(_NP), ck.reshape(_NP))

    out = pl.pallas_call(
        _tc2_body,
        out_shape=jax.ShapeDtypeStruct((1, 128), jnp.float32),
    )(
        ckw.reshape(_NG, 1), ckw.reshape(1, _NG),
        widx.astype(jnp.float32).reshape(_NG, 1),
        widx.astype(jnp.float32).reshape(1, _NG),
        glab1.reshape(_NG, 1),
        r.reshape(_NG, 16),
        cnt, tpts,
    )
    return out[0, 0]

# --- scband reference (transcript-rebuilt; emitter-appended) ---
"""Pipeline reference for scband-m-ap-28621662060906 (READ-ONLY COPY).

The authoritative reference and input builder live on the scoring server;
editing this copy changes nothing except your own understanding.
"""

import jax, jax.numpy as jnp
import numpy as np

EPSILON = 1e-05
IOU_THRESHOLD = 0.5
NUM_CLASSES = 4
N_PRED = 5000
N_GT = 500


def _box_iou(boxes1, boxes2):
    # boxes in (x1, y1, x2, y2) format; matches torchvision.ops.box_iou
    area1 = (boxes1[:, 2] - boxes1[:, 0]) * (boxes1[:, 3] - boxes1[:, 1])
    area2 = (boxes2[:, 2] - boxes2[:, 0]) * (boxes2[:, 3] - boxes2[:, 1])
    lt = jnp.maximum(boxes1[:, None, :2], boxes2[None, :, :2])
    rb = jnp.minimum(boxes1[:, None, 2:], boxes2[None, :, 2:])
    wh = jnp.clip(rb - lt, 0.0, None)
    inter = wh[..., 0] * wh[..., 1]
    union = area1[:, None] + area2[None, :] - inter
    return inter / (union + 1e-12)


def _make_boxes(key, n):
    kc, ks = jax.random.split(key)
    centers = jax.random.uniform(kc, (n, 2), minval=60.0, maxval=940.0)
    sizes = jax.random.uniform(ks, (n, 2), minval=20.0, maxval=120.0)
    return jnp.concatenate([centers - sizes / 2.0, centers + sizes / 2.0], axis=1).astype(jnp.float32)


def setup_inputs(seed: int = 0) -> dict:
    key = jax.random.key(seed)
    k1, k2, k3, k4, k5 = jax.random.split(key, 5)
    pred_labels = jax.random.randint(k1, (N_PRED,), 0, 4, dtype=jnp.int64) if jax.config.jax_enable_x64 else jax.random.randint(k1, (N_PRED,), 0, 4).astype(jnp.int32)
    gt_labels = jax.random.randint(k2, (N_GT,), 0, 4).astype(pred_labels.dtype)
    class_probits = jax.random.uniform(k3, (N_PRED,), dtype=jnp.float32)
    pred_boxes = _make_boxes(k4, N_PRED)
    gt_boxes = _make_boxes(k5, N_GT)
    return {
        "pred_labels": pred_labels,
        "class_probits": class_probits,
        "pred_boxes": pred_boxes,
        "gt_labels": gt_labels,
        "gt_boxes": gt_boxes,
    }


def _ap_per_class(c, pred_labels, class_probits, pred_boxes, gt_labels, iou_full, recall_pts):
    N = pred_boxes.shape[0]
    M = iou_full.shape[0]
    p_mem = pred_labels == c
    g_mem = gt_labels == c
    num_gt = jnp.sum(g_mem).astype(jnp.float32)
    # sort class preds by probit descending; non-members pushed to the end
    keys = jnp.where(p_mem, class_probits, -jnp.inf)
    order = jnp.argsort(-keys)
    mem_s = p_mem[order]
    iou_c = jnp.where(g_mem[:, None], iou_full, 0.0)[:, order]

    def body(i, carry):
        gt_matched, tp, fp = carry
        col = jax.lax.dynamic_index_in_dim(iou_c, i, axis=1, keepdims=False)
        maxv = jnp.max(col)
        chosen = jnp.argmax(col)
        is_m = mem_s[i]
        has_match = maxv > IOU_THRESHOLD
        unmatched = gt_matched[chosen] == 0
        tp_i = is_m & has_match & unmatched
        fp_i = is_m & jnp.logical_not(has_match & unmatched)
        gt_matched = gt_matched.at[chosen].set(jnp.where(tp_i, 1, gt_matched[chosen]))
        tp = tp.at[i].set(tp_i.astype(jnp.float32))
        fp = fp.at[i].set(fp_i.astype(jnp.float32))
        return (gt_matched, tp, fp)

    init = (jnp.zeros((M,), dtype=jnp.int32), jnp.zeros((N,), dtype=jnp.float32), jnp.zeros((N,), dtype=jnp.float32))
    _, tp, fp = jax.lax.fori_loop(0, N, body, init)
    tp_cumsum = jnp.cumsum(tp)
    fp_cumsum = jnp.cumsum(fp)
    precision = tp_cumsum / (tp_cumsum + fp_cumsum + EPSILON)
    recall = tp_cumsum / (num_gt + EPSILON)
    ap = jnp.float32(0.0)
    for ti in range(11):
        t = recall_pts[ti]
        mask = recall >= t
        p_max = jnp.where(jnp.any(mask), jnp.max(jnp.where(mask, precision, -jnp.inf)), 0.0)
        ap = ap + p_max
    ap = ap / 11.0
    valid = (jnp.sum(p_mem) > 0) & (num_gt > 0)
    return jnp.where(valid, ap, 0.0)


def reference(pred_labels, class_probits, pred_boxes, gt_labels, gt_boxes):
    recall_pts = jnp.arange(0.0, 1.1, 0.1, dtype=jnp.float32)
    iou_full = _box_iou(gt_boxes, pred_boxes)  # [M, N]
    aps = []
    for c in range(1, NUM_CLASSES):
        aps.append(_ap_per_class(c, pred_labels, class_probits, pred_boxes, gt_labels, iou_full, recall_pts))
    return jnp.mean(jnp.stack(aps))

if __name__ == "__main__":
    import jax
    _d = setup_inputs()
    print(jax.jit(kernel)(*tuple(_d.values())))

</pallas_src>

<mosaic_0001>
#map = affine_map<(d0, d1) -> (0)>
module attributes {stable_mosaic.version = 14 : i64} {
  func.func @_sc_body(%arg0: i32, %arg1: i32, %arg2: memref<5120xi32, #tpu.memory_space<hbm>>, %arg3: memref<5120xi32, #tpu.memory_space<hbm>>, %arg4: memref<5120xi32, #tpu.memory_space<hbm>>, %arg5: memref<512xi32, #tpu.memory_space<hbm>>, %arg6: memref<512xi32, #tpu.memory_space<hbm>>, %arg7: memref<8192xf32, #tpu.memory_space<hbm>>, %arg8: memref<336xi32, #tpu.memory_space<vmem>>, %arg9: memref<336xi32, #tpu.memory_space<vmem>>, %arg10: memref<5136xi32, #tpu.memory_space<vmem>>, %arg11: memref<272xi32, #tpu.memory_space<vmem>>, %arg12: memref<272xi32, #tpu.memory_space<vmem>>, %arg13: memref<16xi32, #tpu.memory_space<vmem>>, %arg14: memref<16xi32, #tpu.memory_space<vmem>>, %arg15: memref<32xi32, #tpu.memory_space<vmem>>, %arg16: memref<32xi32, #tpu.memory_space<vmem>>, %arg17: memref<256xf32, #tpu.memory_space<vmem>>, %arg18: memref<4096xi32, #tpu.memory_space<vmem_shared>>, %arg19: memref<4096xi32, #tpu.memory_space<vmem_shared>>) attributes {dimension_semantics = [#tpu.dimension_semantics<core_parallel>, #tpu.dimension_semantics<subcore_parallel>], iteration_bounds = array<i64: 2, 16>, scalar_prefetch = 0 : i64, scratch_operands = 12 : i64, tpu.core_type = #tpu.core_type<sc_vector_subcore>, window_params = [{transform_indices = #map}, {transform_indices = #map}, {transform_indices = #map}, {transform_indices = #map}, {transform_indices = #map}, {transform_indices = #map}]} {
    %mul3A = arith.constant 256 : i32
    %mul3A_0 = arith.muli %arg0, %mul3A : i32
    %mul3A_1 = arith.constant 320 : i32
    %mul3A_2 = arith.muli %arg1, %mul3A_1 : i32
    %iota3A = tpu.iota {dimensions = array<i32: 0>} : vector<16xi32>
    "tpu.region"() ({
      %run_scoped3A = tpu.sem_alloc : memref<!tpu.dma_semaphore, #tpu.memory_space<semaphore_mem>>
      %dma_start3A = arith.constant 0 : i32
      %dma_start3A_49 = tpu.memref_slice %arg8[%dma_start3A] : memref<336xi32, #tpu.memory_space<vmem>> -> memref<320xi32, #tpu.memory_space<vmem>>
      %dma_start3A_50 = tpu.memref_slice %arg2[%mul3A_2] : memref<5120xi32, #tpu.memory_space<hbm>> -> memref<320xi32, #tpu.memory_space<hbm>>
      %dma_start3A_51 = arith.constant 0 : i32
      %dma_start3A_52 = tpu.memref_slice %arg8[%dma_start3A_51] : memref<336xi32, #tpu.memory_space<vmem>> -> memref<320xi32, #tpu.memory_space<vmem>>
      %dma_start3A_53 = tpu.memref_slice %arg2[%mul3A_2] : memref<5120xi32, #tpu.memory_space<hbm>> -> memref<320xi32, #tpu.memory_space<hbm>>
      tpu.enqueue_dma source(%dma_start3A_53 : memref<320xi32, #tpu.memory_space<hbm>>) target(%dma_start3A_52 : memref<320xi32, #tpu.memory_space<vmem>>) target_semaphore(%run_scoped3A : memref<!tpu.dma_semaphore, #tpu.memory_space<semaphore_mem>>)
      %dma_wait3A = arith.constant 0 : i32
      %dma_wait3A_54 = tpu.memref_slice %arg8[%dma_wait3A] : memref<336xi32, #tpu.memory_space<vmem>> -> memref<320xi32, #tpu.memory_space<vmem>>
      %dma_wait3A_55 = tpu.memref_slice %arg2[%mul3A_2] : memref<5120xi32, #tpu.memory_space<hbm>> -> memref<320xi32, #tpu.memory_space<hbm>>
      %dma_wait3A_56 = arith.constant 0 : i32
      %dma_wait3A_57 = tpu.memref_slice %arg8[%dma_wait3A_56] : memref<336xi32, #tpu.memory_space<vmem>> -> memref<320xi32, #tpu.memory_space<vmem>>
      %dma_wait3A_58 = tpu.memref_slice %arg2[%mul3A_2] : memref<5120xi32, #tpu.memory_space<hbm>> -> memref<320xi32, #tpu.memory_space<hbm>>
      tpu.wait_dma2 semaphore(%run_scoped3A : memref<!tpu.dma_semaphore, #tpu.memory_space<semaphore_mem>>) src(%dma_wait3A_58 : memref<320xi32, #tpu.memory_space<hbm>>) dst(%dma_wait3A_57 : memref<320xi32, #tpu.memory_space<vmem>>)
      tpu.yield
    }) : () -> ()
    "tpu.region"() ({
      %run_scoped3A = tpu.sem_alloc : memref<!tpu.dma_semaphore, #tpu.memory_space<semaphore_mem>>
      %dma_start3A = arith.constant 0 : i32
      %dma_start3A_49 = tpu.memref_slice %arg9[%dma_start3A] : memref<336xi32, #tpu.memory_space<vmem>> -> memref<320xi32, #tpu.memory_space<vmem>>
      %dma_start3A_50 = tpu.memref_slice %arg3[%mul3A_2] : memref<5120xi32, #tpu.memory_space<hbm>> -> memref<320xi32, #tpu.memory_space<hbm>>
      %dma_start3A_51 = arith.constant 0 : i32
      %dma_start3A_52 = tpu.memref_slice %arg9[%dma_start3A_51] : memref<336xi32, #tpu.memory_space<vmem>> -> memref<320xi32, #tpu.memory_space<vmem>>
      %dma_start3A_53 = tpu.memref_slice %arg3[%mul3A_2] : memref<5120xi32, #tpu.memory_space<hbm>> -> memref<320xi32, #tpu.memory_space<hbm>>
      tpu.enqueue_dma source(%dma_start3A_53 : memref<320xi32, #tpu.memory_space<hbm>>) target(%dma_start3A_52 : memref<320xi32, #tpu.memory_space<vmem>>) target_semaphore(%run_scoped3A : memref<!tpu.dma_semaphore, #tpu.memory_space<semaphore_mem>>)
      %dma_wait3A = arith.constant 0 : i32
      %dma_wait3A_54 = tpu.memref_slice %arg9[%dma_wait3A] : memref<336xi32, #tpu.memory_space<vmem>> -> memref<320xi32, #tpu.memory_space<vmem>>
      %dma_wait3A_55 = tpu.memref_slice %arg3[%mul3A_2] : memref<5120xi32, #tpu.memory_space<hbm>> -> memref<320xi32, #tpu.memory_space<hbm>>
      %dma_wait3A_56 = arith.constant 0 : i32
      %dma_wait3A_57 = tpu.memref_slice %arg9[%dma_wait3A_56] : memref<336xi32, #tpu.memory_space<vmem>> -> memref<320xi32, #tpu.memory_space<vmem>>
      %dma_wait3A_58 = tpu.memref_slice %arg3[%mul3A_2] : memref<5120xi32, #tpu.memory_space<hbm>> -> memref<320xi32, #tpu.memory_space<hbm>>
      tpu.wait_dma2 semaphore(%run_scoped3A : memref<!tpu.dma_semaphore, #tpu.memory_space<semaphore_mem>>) src(%dma_wait3A_58 : memref<320xi32, #tpu.memory_space<hbm>>) dst(%dma_wait3A_57 : memref<320xi32, #tpu.memory_space<vmem>>)
      tpu.yield
    }) : () -> ()
    "tpu.region"() ({
      %run_scoped3A = tpu.sem_alloc : memref<!tpu.dma_semaphore, #tpu.memory_space<semaphore_mem>>
      %dma_start3A = arith.constant 0 : i32
      %dma_start3A_49 = tpu.memref_slice %arg10[%dma_start3A] : memref<5136xi32, #tpu.memory_space<vmem>> -> memref<5120xi32, #tpu.memory_space<vmem>>
      %dma_start3A_50 = arith.constant 0 : i32
      %dma_start3A_51 = tpu.memref_slice %arg4[%dma_start3A_50] : memref<5120xi32, #tpu.memory_space<hbm>> -> memref<5120xi32, #tpu.memory_space<hbm>>
      %dma_start3A_52 = arith.constant 0 : i32
      %dma_start3A_53 = tpu.memref_slice %arg10[%dma_start3A_52] : memref<5136xi32, #tpu.memory_space<vmem>> -> memref<5120xi32, #tpu.memory_space<vmem>>
      %dma_start3A_54 = arith.constant 0 : i32
      %dma_start3A_55 = tpu.memref_slice %arg4[%dma_start3A_54] : memref<5120xi32, #tpu.memory_space<hbm>> -> memref<5120xi32, #tpu.memory_space<hbm>>
      tpu.enqueue_dma source(%dma_start3A_55 : memref<5120xi32, #tpu.memory_space<hbm>>) target(%dma_start3A_53 : memref<5120xi32, #tpu.memory_space<vmem>>) target_semaphore(%run_scoped3A : memref<!tpu.dma_semaphore, #tpu.memory_space<semaphore_mem>>)
      %dma_wait3A = arith.constant 0 : i32
      %dma_wait3A_56 = tpu.memref_slice %arg10[%dma_wait3A] : memref<5136xi32, #tpu.memory_space<vmem>> -> memref<5120xi32, #tpu.memory_space<vmem>>
      %dma_wait3A_57 = arith.constant 0 : i32
      %dma_wait3A_58 = tpu.memref_slice %arg4[%dma_wait3A_57] : memref<5120xi32, #tpu.memory_space<hbm>> -> memref<5120xi32, #tpu.memory_space<hbm>>
      %dma_wait3A_59 = arith.constant 0 : i32
      %dma_wait3A_60 = tpu.memref_slice %arg10[%dma_wait3A_59] : memref<5136xi32, #tpu.memory_space<vmem>> -> memref<5120xi32, #tpu.memory_space<vmem>>
      %dma_wait3A_61 = arith.constant 0 : i32
      %dma_wait3A_62 = tpu.memref_slice %arg4[%dma_wait3A_61] : memref<5120xi32, #tpu.memory_space<hbm>> -> memref<5120xi32, #tpu.memory_space<hbm>>
      tpu.wait_dma2 semaphore(%run_scoped3A : memref<!tpu.dma_semaphore, #tpu.memory_space<semaphore_mem>>) src(%dma_wait3A_62 : memref<5120xi32, #tpu.memory_space<hbm>>) dst(%dma_wait3A_60 : memref<5120xi32, #tpu.memory_space<vmem>>)
      tpu.yield
    }) : () -> ()
    %scan3A = arith.constant 0 : i32
    %scan3A_3 = arith.constant 0 : i32
    %scan3A_4 = arith.constant 17 : i32
    %scan3A_5 = arith.addi %scan3A_3, %scan3A_4 : i32
    %scan3A_6 = arith.constant 1 : i32
    %scan3A_7 = scf.for %scan3A_49 = %scan3A_3 to %scan3A_5 step %scan3A_6 iter_args(%scan3A_50 = %scan3A) -> (i32)  : i32 {
      %broadcast_in_dim3A_51 = arith.constant -2147483648 : i32
      %broadcast_in_dim3A_52 = vector.broadcast %broadcast_in_dim3A_51 : i32 to vector<16xi32>
      %mul3A_53 = arith.constant 16 : i32
      %mul3A_54 = arith.muli %scan3A_49, %mul3A_53 : i32
      %swap3A_55 = arith.index_cast %mul3A_54 : i32 to index
      %swap3A_56 = tpu.vector_load %arg11[%swap3A_55] {strides = array<i32>} : memref<272xi32, #tpu.memory_space<vmem>>, vector<16xi32>,
      %swap3A_57 = vector.shape_cast %swap3A_56 : vector<16xi32> to vector<16xi32>
      %swap3A_58 = vector.shape_cast %broadcast_in_dim3A_52 : vector<16xi32> to vector<16xi32>
      tpu.vector_store %arg11[%swap3A_55], %swap3A_58 {strides = array<i32>} : memref<272xi32, #tpu.memory_space<vmem>>, vector<16xi32>,
      %broadcast_in_dim3A_59 = arith.constant 5120 : i32
      %broadcast_in_dim3A_60 = vector.broadcast %broadcast_in_dim3A_59 : i32 to vector<16xi32>
      %mul3A_61 = arith.constant 16 : i32
      %mul3A_62 = arith.muli %scan3A_49, %mul3A_61 : i32
      %swap3A_63 = arith.index_cast %mul3A_62 : i32 to index
      %swap3A_64 = tpu.vector_load %arg12[%swap3A_63] {strides = array<i32>} : memref<272xi32, #tpu.memory_space<vmem>>, vector<16xi32>,
      %swap3A_65 = vector.shape_cast %swap3A_64 : vector<16xi32> to vector<16xi32>
      %swap3A_66 = vector.shape_cast %broadcast_in_dim3A_60 : vector<16xi32> to vector<16xi32>
      tpu.vector_store %arg12[%swap3A_63], %swap3A_66 {strides = array<i32>} : memref<272xi32, #tpu.memory_space<vmem>>, vector<16xi32>,
      %scan3A_67 = arith.constant 0 : i32
      scf.yield %scan3A_67 : i32
    }
    %scan3A_8 = arith.constant 17 : i32
    %scan3A_9 = arith.constant 0 : i32
    %scan3A_10 = arith.constant 0 : i32
    %scan3A_11 = arith.constant 320 : i32
    %scan3A_12 = arith.addi %scan3A_10, %scan3A_11 : i32
    %scan3A_13 = arith.constant 1 : i32
    %scan3A_14 = scf.for %scan3A_49 = %scan3A_10 to %scan3A_12 step %scan3A_13 iter_args(%scan3A_50 = %scan3A_9) -> (i32)  : i32 {
      %get3A = arith.index_cast %scan3A_49 : i32 to index
      %get3A_51 = tpu.vector_load %arg8[%get3A] {strides = array<i32>} : memref<336xi32, #tpu.memory_space<vmem>>, vector<16xi32>,
      %get3A_52 = vector.shape_cast %get3A_51 : vector<16xi32> to vector<16xi32>
      %slice3A = vector.extract_strided_slice %get3A_52 {offsets = [0], sizes = [1], strides = [1]} : vector<16xi32> to vector<1xi32>
      %squeeze3A = vector.extract %slice3A[0] : i32 from vector<1xi32>
      %get3A_53 = arith.index_cast %scan3A_49 : i32 to index
      %get3A_54 = tpu.vector_load %arg9[%get3A_53] {strides = array<i32>} : memref<336xi32, #tpu.memory_space<vmem>>, vector<16xi32>,
      %get3A_55 = vector.shape_cast %get3A_54 : vector<16xi32> to vector<16xi32>
      %slice3A_56 = vector.extract_strided_slice %get3A_55 {offsets = [0], sizes = [1], strides = [1]} : vector<16xi32> to vector<1xi32>
      %squeeze3A_57 = vector.extract %slice3A_56[0] : i32 from vector<1xi32>
      %eq3A = arith.constant 1 : i32
      %eq3A_58 = arith.cmpi eq, %squeeze3A_57, %eq3A : i32
      %add3A_59 = arith.addi %mul3A_2, %scan3A_49 : i32
      %jit3A = arith.constant 0 : i32
      %jit3A_60 = arith.constant 5119 : i32
      %max3A = arith.maxsi %jit3A, %add3A_59 : i32
      %min3A = arith.minsi %jit3A_60, %max3A : i32
      %get3A_61 = arith.index_cast %min3A : i32 to index
      %get3A_62 = tpu.vector_load %arg10[%get3A_61] {strides = array<i32>} : memref<5136xi32, #tpu.memory_space<vmem>>, vector<16xi32>,
      %get3A_63 = vector.shape_cast %get3A_62 : vector<16xi32> to vector<16xi32>
      %slice3A_64 = vector.extract_strided_slice %get3A_63 {offsets = [0], sizes = [1], strides = [1]} : vector<16xi32> to vector<1xi32>
      %squeeze3A_65 = vector.extract %slice3A_64[0] : i32 from vector<1xi32>
      %sub3A = arith.subi %squeeze3A, %mul3A_0 : i32
      %ge3A = arith.constant 0 : i32
      %ge3A_66 = arith.cmpi sge, %sub3A, %ge3A : i32
      %lt3A = arith.constant 256 : i32
      %lt3A_67 = arith.cmpi slt, %sub3A, %lt3A : i32
      %and3A = arith.andi %ge3A_66, %lt3A_67 : i1
      %jit3A_68 = arith.constant 0 : i32
      %jit3A_69 = arith.constant 255 : i32
      %max3A_70 = arith.maxsi %jit3A_68, %sub3A : i32
      %min3A_71 = arith.minsi %jit3A_69, %max3A_70 : i32
      %get3A_72 = arith.index_cast %min3A_71 : i32 to index
      %get3A_73 = tpu.vector_load %arg11[%get3A_72] {strides = array<i32>} : memref<272xi32, #tpu.memory_space<vmem>>, vector<16xi32>,
      %get3A_74 = vector.shape_cast %get3A_73 : vector<16xi32> to vector<16xi32>
      %get3A_75 = arith.index_cast %min3A_71 : i32 to index
      %get3A_76 = tpu.vector_load %arg12[%get3A_75] {strides = array<i32>} : memref<272xi32, #tpu.memory_space<vmem>>, vector<16xi32>,
      %get3A_77 = vector.shape_cast %get3A_76 : vector<16xi32> to vector<16xi32>
      %slice3A_78 = vector.extract_strided_slice %get3A_74 {offsets = [0], sizes = [1], strides = [1]} : vector<16xi32> to vector<1xi32>
      %squeeze3A_79 = vector.extract %slice3A_78[0] : i32 from vector<1xi32>
      %slice3A_80 = vector.extract_strided_slice %get3A_77 {offsets = [0], sizes = [1], strides = [1]} : vector<16xi32> to vector<1xi32>
      %squeeze3A_81 = vector.extract %slice3A_80[0] : i32 from vector<1xi32>
      %and3A_82 = arith.andi %eq3A_58, %and3A : i1
      %gt3A = arith.cmpi sgt, %squeeze3A_65, %squeeze3A_79 : i32
      %eq3A_83 = arith.cmpi eq, %squeeze3A_65, %squeeze3A_79 : i32
      %lt3A_84 = arith.cmpi slt, %add3A_59, %squeeze3A_81 : i32
      %and3A_85 = arith.andi %eq3A_83, %lt3A_84 : i1
      %or3A = arith.ori %gt3A, %and3A_85 : i1
      %and3A_86 = arith.andi %and3A_82, %or3A : i1
      %select_n3A = arith.select %and3A_86, %squeeze3A_65, %squeeze3A_79 : i32
      %select_n3A_87 = arith.select %and3A_86, %add3A_59, %squeeze3A_81 : i32
      %eq3A_88 = arith.constant 0 : i32
      %eq3A_89 = vector.broadcast %eq3A_88 : i32 to vector<16xi32>
      %eq3A_90 = arith.cmpi eq, %iota3A, %eq3A_89 : vector<16xi32>
      %broadcast_in_dim3A_91 = vector.broadcast %select_n3A : i32 to vector<16xi32>
      %select_n3A_92 = arith.select %eq3A_90, %broadcast_in_dim3A_91, %get3A_74 : vector<16xi1>, vector<16xi32>
      %swap3A_93 = arith.index_cast %min3A_71 : i32 to index
      %swap3A_94 = tpu.vector_load %arg11[%swap3A_93] {strides = array<i32>} : memref<272xi32, #tpu.memory_space<vmem>>, vector<16xi32>,
      %swap3A_95 = vector.shape_cast %swap3A_94 : vector<16xi32> to vector<16xi32>
      %swap3A_96 = vector.shape_cast %select_n3A_92 : vector<16xi32> to vector<16xi32>
      tpu.vector_store %arg11[%swap3A_93], %swap3A_96 {strides = array<i32>} : memref<272xi32, #tpu.memory_space<vmem>>, vector<16xi32>,
      %eq3A_97 = arith.constant 0 : i32
      %eq3A_98 = vector.broadcast %eq3A_97 : i32 to vector<16xi32>
      %eq3A_99 = arith.cmpi eq, %iota3A, %eq3A_98 : vector<16xi32>
      %broadcast_in_dim3A_100 = vector.broadcast %select_n3A_87 : i32 to vector<16xi32>
      %select_n3A_101 = arith.select %eq3A_99, %broadcast_in_dim3A_100, %get3A_77 : vector<16xi1>, vector<16xi32>
      %swap3A_102 = arith.index_cast %min3A_71 : i32 to index
      %swap3A_103 = tpu.vector_load %arg12[%swap3A_102] {strides = array<i32>} : memref<272xi32, #tpu.memory_space<vmem>>, vector<16xi32>,
      %swap3A_104 = vector.shape_cast %swap3A_103 : vector<16xi32> to vector<16xi32>
      %swap3A_105 = vector.shape_cast %select_n3A_101 : vector<16xi32> to vector<16xi32>
      tpu.vector_store %arg12[%swap3A_102], %swap3A_105 {strides = array<i32>} : memref<272xi32, #tpu.memory_space<vmem>>, vector<16xi32>,
      %scan3A_106 = arith.constant 0 : i32
      scf.yield %scan3A_106 : i32
    }
    %scan3A_15 = arith.constant 320 : i32
    %mul3A_16 = arith.constant 256 : i32
    %mul3A_17 = arith.muli %arg1, %mul3A_16 : i32
    "tpu.region"() ({
      %run_scoped3A = tpu.sem_alloc : memref<!tpu.dma_semaphore, #tpu.memory_space<semaphore_mem>>
      %dma_start3A = arith.constant 0 : i32
      %dma_start3A_49 = tpu.memref_slice %arg11[%dma_start3A] : memref<272xi32, #tpu.memory_space<vmem>> -> memref<256xi32, #tpu.memory_space<vmem>>
      %dma_start3A_50 = tpu.memref_slice %arg18[%mul3A_17] : memref<4096xi32, #tpu.memory_space<vmem_shared>> -> memref<256xi32, #tpu.memory_space<vmem_shared>>
      %dma_start3A_51 = tpu.memref_slice %arg18[%mul3A_17] : memref<4096xi32, #tpu.memory_space<vmem_shared>> -> memref<256xi32, #tpu.memory_space<vmem_shared>>
      %dma_start3A_52 = arith.constant 0 : i32
      %dma_start3A_53 = tpu.memref_slice %arg11[%dma_start3A_52] : memref<272xi32, #tpu.memory_space<vmem>> -> memref<256xi32, #tpu.memory_space<vmem>>
      tpu.enqueue_dma source(%dma_start3A_53 : memref<256xi32, #tpu.memory_space<vmem>>) target(%dma_start3A_51 : memref<256xi32, #tpu.memory_space<vmem_shared>>) target_semaphore(%run_scoped3A : memref<!tpu.dma_semaphore, #tpu.memory_space<semaphore_mem>>)
      %dma_wait3A = arith.constant 0 : i32
      %dma_wait3A_54 = tpu.memref_slice %arg11[%dma_wait3A] : memref<272xi32, #tpu.memory_space<vmem>> -> memref<256xi32, #tpu.memory_space<vmem>>
      %dma_wait3A_55 = tpu.memref_slice %arg18[%mul3A_17] : memref<4096xi32, #tpu.memory_space<vmem_shared>> -> memref<256xi32, #tpu.memory_space<vmem_shared>>
      %dma_wait3A_56 = tpu.memref_slice %arg18[%mul3A_17] : memref<4096xi32, #tpu.memory_space<vmem_shared>> -> memref<256xi32, #tpu.memory_space<vmem_shared>>
      %dma_wait3A_57 = arith.constant 0 : i32
      %dma_wait3A_58 = tpu.memref_slice %arg11[%dma_wait3A_57] : memref<272xi32, #tpu.memory_space<vmem>> -> memref<256xi32, #tpu.memory_space<vmem>>
      tpu.wait_dma2 semaphore(%run_scoped3A : memref<!tpu.dma_semaphore, #tpu.memory_space<semaphore_mem>>) src(%dma_wait3A_58 : memref<256xi32, #tpu.memory_space<vmem>>) dst(%dma_wait3A_56 : memref<256xi32, #tpu.memory_space<vmem_shared>>)
      tpu.yield
    }) : () -> ()
    %mul3A_18 = arith.constant 256 : i32
    %mul3A_19 = arith.muli %arg1, %mul3A_18 : i32
    "tpu.region"() ({
      %run_scoped3A = tpu.sem_alloc : memref<!tpu.dma_semaphore, #tpu.memory_space<semaphore_mem>>
      %dma_start3A = arith.constant 0 : i32
      %dma_start3A_49 = tpu.memref_slice %arg12[%dma_start3A] : memref<272xi32, #tpu.memory_space<vmem>> -> memref<256xi32, #tpu.memory_space<vmem>>
      %dma_start3A_50 = tpu.memref_slice %arg19[%mul3A_19] : memref<4096xi32, #tpu.memory_space<vmem_shared>> -> memref<256xi32, #tpu.memory_space<vmem_shared>>
      %dma_start3A_51 = tpu.memref_slice %arg19[%mul3A_19] : memref<4096xi32, #tpu.memory_space<vmem_shared>> -> memref<256xi32, #tpu.memory_space<vmem_shared>>
      %dma_start3A_52 = arith.constant 0 : i32
      %dma_start3A_53 = tpu.memref_slice %arg12[%dma_start3A_52] : memref<272xi32, #tpu.memory_space<vmem>> -> memref<256xi32, #tpu.memory_space<vmem>>
      tpu.enqueue_dma source(%dma_start3A_53 : memref<256xi32, #tpu.memory_space<vmem>>) target(%dma_start3A_51 : memref<256xi32, #tpu.memory_space<vmem_shared>>) target_semaphore(%run_scoped3A : memref<!tpu.dma_semaphore, #tpu.memory_space<semaphore_mem>>)
      %dma_wait3A = arith.constant 0 : i32
      %dma_wait3A_54 = tpu.memref_slice %arg12[%dma_wait3A] : memref<272xi32, #tpu.memory_space<vmem>> -> memref<256xi32, #tpu.memory_space<vmem>>
      %dma_wait3A_55 = tpu.memref_slice %arg19[%mul3A_19] : memref<4096xi32, #tpu.memory_space<vmem_shared>> -> memref<256xi32, #tpu.memory_space<vmem_shared>>
      %dma_wait3A_56 = tpu.memref_slice %arg19[%mul3A_19] : memref<4096xi32, #tpu.memory_space<vmem_shared>> -> memref<256xi32, #tpu.memory_space<vmem_shared>>
      %dma_wait3A_57 = arith.constant 0 : i32
      %dma_wait3A_58 = tpu.memref_slice %arg12[%dma_wait3A_57] : memref<272xi32, #tpu.memory_space<vmem>> -> memref<256xi32, #tpu.memory_space<vmem>>
      tpu.wait_dma2 semaphore(%run_scoped3A : memref<!tpu.dma_semaphore, #tpu.memory_space<semaphore_mem>>) src(%dma_wait3A_58 : memref<256xi32, #tpu.memory_space<vmem>>) dst(%dma_wait3A_56 : memref<256xi32, #tpu.memory_space<vmem_shared>>)
      tpu.yield
    }) : () -> ()
    %barrier3A = arith.constant 0 : index
    tpu.barrier barrier_id(%barrier3A)
    %mul3A_20 = arith.constant 16 : i32
    %mul3A_21 = arith.muli %arg1, %mul3A_20 : i32
    %broadcast_in_dim3A = arith.constant -2147483648 : i32
    %broadcast_in_dim3A_22 = vector.broadcast %broadcast_in_dim3A : i32 to vector<16xi32>
    %broadcast_in_dim3A_23 = arith.constant 5120 : i32
    %broadcast_in_dim3A_24 = vector.broadcast %broadcast_in_dim3A_23 : i32 to vector<16xi32>
    %scan3A_25 = arith.constant 0 : i32
    %scan3A_26 = arith.constant 16 : i32
    %scan3A_27 = arith.addi %scan3A_25, %scan3A_26 : i32
    %scan3A_28 = arith.constant 1 : i32
    %scan3A_29:2 = scf.for %scan3A_49 = %scan3A_25 to %scan3A_27 step %scan3A_28 iter_args(%scan3A_50 = %broadcast_in_dim3A_22, %scan3A_51 = %broadcast_in_dim3A_24) -> (vector<16xi32>, vector<16xi32>)  : i32 {
      %mul3A_52 = arith.constant 256 : i32
      %mul3A_53 = arith.muli %scan3A_49, %mul3A_52 : i32
      %add3A_54 = arith.addi %mul3A_53, %mul3A_21 : i32
      "tpu.region"() ({
        %run_scoped3A = tpu.sem_alloc : memref<!tpu.dma_semaphore, #tpu.memory_space<semaphore_mem>>
        %dma_start3A = tpu.memref_slice %arg18[%add3A_54] : memref<4096xi32, #tpu.memory_space<vmem_shared>> -> memref<16xi32, #tpu.memory_space<vmem_shared>>
        %dma_start3A_64 = tpu.memref_slice %arg18[%add3A_54] : memref<4096xi32, #tpu.memory_space<vmem_shared>> -> memref<16xi32, #tpu.memory_space<vmem_shared>>
        tpu.enqueue_dma source(%dma_start3A_64 : memref<16xi32, #tpu.memory_space<vmem_shared>>) target(%arg13 : memref<16xi32, #tpu.memory_space<vmem>>) target_semaphore(%run_scoped3A : memref<!tpu.dma_semaphore, #tpu.memory_space<semaphore_mem>>)
        %dma_wait3A = tpu.memref_slice %arg18[%add3A_54] : memref<4096xi32, #tpu.memory_space<vmem_shared>> -> memref<16xi32, #tpu.memory_space<vmem_shared>>
        %dma_wait3A_65 = tpu.memref_slice %arg18[%add3A_54] : memref<4096xi32, #tpu.memory_space<vmem_shared>> -> memref<16xi32, #tpu.memory_space<vmem_shared>>
        tpu.wait_dma2 semaphore(%run_scoped3A : memref<!tpu.dma_semaphore, #tpu.memory_space<semaphore_mem>>) src(%dma_wait3A_65 : memref<16xi32, #tpu.memory_space<vmem_shared>>) dst(%arg13 : memref<16xi32, #tpu.memory_space<vmem>>)
        tpu.yield
      }) : () -> ()
      %mul3A_55 = arith.constant 256 : i32
      %mul3A_56 = arith.muli %scan3A_49, %mul3A_55 : i32
      %add3A_57 = arith.addi %mul3A_56, %mul3A_21 : i32
      "tpu.region"() ({
        %run_scoped3A = tpu.sem_alloc : memref<!tpu.dma_semaphore, #tpu.memory_space<semaphore_mem>>
        %dma_start3A = tpu.memref_slice %arg19[%add3A_57] : memref<4096xi32, #tpu.memory_space<vmem_shared>> -> memref<16xi32, #tpu.memory_space<vmem_shared>>
        %dma_start3A_64 = tpu.memref_slice %arg19[%add3A_57] : memref<4096xi32, #tpu.memory_space<vmem_shared>> -> memref<16xi32, #tpu.memory_space<vmem_shared>>
        tpu.enqueue_dma source(%dma_start3A_64 : memref<16xi32, #tpu.memory_space<vmem_shared>>) target(%arg14 : memref<16xi32, #tpu.memory_space<vmem>>) target_semaphore(%run_scoped3A : memref<!tpu.dma_semaphore, #tpu.memory_space<semaphore_mem>>)
        %dma_wait3A = tpu.memref_slice %arg19[%add3A_57] : memref<4096xi32, #tpu.memory_space<vmem_shared>> -> memref<16xi32, #tpu.memory_space<vmem_shared>>
        %dma_wait3A_65 = tpu.memref_slice %arg19[%add3A_57] : memref<4096xi32, #tpu.memory_space<vmem_shared>> -> memref<16xi32, #tpu.memory_space<vmem_shared>>
        tpu.wait_dma2 semaphore(%run_scoped3A : memref<!tpu.dma_semaphore, #tpu.memory_space<semaphore_mem>>) src(%dma_wait3A_65 : memref<16xi32, #tpu.memory_space<vmem_shared>>) dst(%arg14 : memref<16xi32, #tpu.memory_space<vmem>>)
        tpu.yield
      }) : () -> ()
      %get3A = arith.constant 0 : index
      %get3A_58 = tpu.vector_load %arg13[%get3A] {strides = array<i32>} : memref<16xi32, #tpu.memory_space<vmem>>, vector<16xi32>,
      %get3A_59 = vector.shape_cast %get3A_58 : vector<16xi32> to vector<16xi32>
      %get3A_60 = arith.constant 0 : index
      %get3A_61 = tpu.vector_load %arg14[%get3A_60] {strides = array<i32>} : memref<16xi32, #tpu.memory_space<vmem>>, vector<16xi32>,
      %get3A_62 = vector.shape_cast %get3A_61 : vector<16xi32> to vector<16xi32>
      %gt3A = arith.cmpi sgt, %get3A_59, %scan3A_50 : vector<16xi32>
      %eq3A = arith.cmpi eq, %get3A_59, %scan3A_50 : vector<16xi32>
      %lt3A = arith.cmpi slt, %get3A_62, %scan3A_51 : vector<16xi32>
      %and3A = arith.andi %eq3A, %lt3A : vector<16xi1>
      %or3A = arith.ori %gt3A, %and3A : vector<16xi1>
      %select_n3A = arith.select %or3A, %get3A_59, %scan3A_50 : vector<16xi1>, vector<16xi32>
      %select_n3A_63 = arith.select %or3A, %get3A_62, %scan3A_51 : vector<16xi1>, vector<16xi32>
      scf.yield %select_n3A, %select_n3A_63 : vector<16xi32>, vector<16xi32>
    }
    %scan3A_30 = arith.constant 16 : i32
    %swap3A = arith.constant 0 : index
    %swap3A_31 = tpu.vector_load %arg15[%swap3A] {strides = array<i32>} : memref<32xi32, #tpu.memory_space<vmem>>, vector<16xi32>,
    %swap3A_32 = vector.shape_cast %swap3A_31 : vector<16xi32> to vector<16xi32>
    %swap3A_33 = vector.shape_cast %scan3A_29#0 : vector<16xi32> to vector<16xi32>
    tpu.vector_store %arg15[%swap3A], %swap3A_33 {strides = array<i32>} : memref<32xi32, #tpu.memory_space<vmem>>, vector<16xi32>,
    %swap3A_34 = arith.constant 0 : index
    %swap3A_35 = tpu.vector_load %arg16[%swap3A_34] {strides = array<i32>} : memref<32xi32, #tpu.memory_space<vmem>>, vector<16xi32>,
    %swap3A_36 = vector.shape_cast %swap3A_35 : vector<16xi32> to vector<16xi32>
    %swap3A_37 = vector.shape_cast %scan3A_29#1 : vector<16xi32> to vector<16xi32>
    tpu.vector_store %arg16[%swap3A_34], %swap3A_37 {strides = array<i32>} : memref<32xi32, #tpu.memory_space<vmem>>, vector<16xi32>,
    %add3A = arith.addi %mul3A_0, %mul3A_21 : i32
    "tpu.region"() ({
      %run_scoped3A = tpu.sem_alloc : memref<!tpu.dma_semaphore, #tpu.memory_space<semaphore_mem>>
      %dma_start3A = arith.constant 0 : i32
      %dma_start3A_49 = tpu.memref_slice %arg15[%dma_start3A] : memref<32xi32, #tpu.memory_space<vmem>> -> memref<16xi32, #tpu.memory_space<vmem>>
      %dma_start3A_50 = tpu.memref_slice %arg5[%add3A] : memref<512xi32, #tpu.memory_space<hbm>> -> memref<16xi32, #tpu.memory_space<hbm>>
      %dma_start3A_51 = tpu.memref_slice %arg5[%add3A] : memref<512xi32, #tpu.memory_space<hbm>> -> memref<16xi32, #tpu.memory_space<hbm>>
      %dma_start3A_52 = arith.constant 0 : i32
      %dma_start3A_53 = tpu.memref_slice %arg15[%dma_start3A_52] : memref<32xi32, #tpu.memory_space<vmem>> -> memref<16xi32, #tpu.memory_space<vmem>>
      tpu.enqueue_dma source(%dma_start3A_53 : memref<16xi32, #tpu.memory_space<vmem>>) target(%dma_start3A_51 : memref<16xi32, #tpu.memory_space<hbm>>) target_semaphore(%run_scoped3A : memref<!tpu.dma_semaphore, #tpu.memory_space<semaphore_mem>>)
      %dma_wait3A = arith.constant 0 : i32
      %dma_wait3A_54 = tpu.memref_slice %arg15[%dma_wait3A] : memref<32xi32, #tpu.memory_space<vmem>> -> memref<16xi32, #tpu.memory_space<vmem>>
      %dma_wait3A_55 = tpu.memref_slice %arg5[%add3A] : memref<512xi32, #tpu.memory_space<hbm>> -> memref<16xi32, #tpu.memory_space<hbm>>
      %dma_wait3A_56 = tpu.memref_slice %arg5[%add3A] : memref<512xi32, #tpu.memory_space<hbm>> -> memref<16xi32, #tpu.memory_space<hbm>>
      %dma_wait3A_57 = arith.constant 0 : i32
      %dma_wait3A_58 = tpu.memref_slice %arg15[%dma_wait3A_57] : memref<32xi32, #tpu.memory_space<vmem>> -> memref<16xi32, #tpu.memory_space<vmem>>
      tpu.wait_dma2 semaphore(%run_scoped3A : memref<!tpu.dma_semaphore, #tpu.memory_space<semaphore_mem>>) src(%dma_wait3A_58 : memref<16xi32, #tpu.memory_space<vmem>>) dst(%dma_wait3A_56 : memref<16xi32, #tpu.memory_space<hbm>>)
      tpu.yield
    }) : () -> ()
    %add3A_38 = arith.addi %mul3A_0, %mul3A_21 : i32
    "tpu.region"() ({
      %run_scoped3A = tpu.sem_alloc : memref<!tpu.dma_semaphore, #tpu.memory_space<semaphore_mem>>
      %dma_start3A = arith.constant 0 : i32
      %dma_start3A_49 = tpu.memref_slice %arg16[%dma_start3A] : memref<32xi32, #tpu.memory_space<vmem>> -> memref<16xi32, #tpu.memory_space<vmem>>
      %dma_start3A_50 = tpu.memref_slice %arg6[%add3A_38] : memref<512xi32, #tpu.memory_space<hbm>> -> memref<16xi32, #tpu.memory_space<hbm>>
      %dma_start3A_51 = tpu.memref_slice %arg6[%add3A_38] : memref<512xi32, #tpu.memory_space<hbm>> -> memref<16xi32, #tpu.memory_space<hbm>>
      %dma_start3A_52 = arith.constant 0 : i32
      %dma_start3A_53 = tpu.memref_slice %arg16[%dma_start3A_52] : memref<32xi32, #tpu.memory_space<vmem>> -> memref<16xi32, #tpu.memory_space<vmem>>
      tpu.enqueue_dma source(%dma_start3A_53 : memref<16xi32, #tpu.memory_space<vmem>>) target(%dma_start3A_51 : memref<16xi32, #tpu.memory_space<hbm>>) target_semaphore(%run_scoped3A : memref<!tpu.dma_semaphore, #tpu.memory_space<semaphore_mem>>)
      %dma_wait3A = arith.constant 0 : i32
      %dma_wait3A_54 = tpu.memref_slice %arg16[%dma_wait3A] : memref<32xi32, #tpu.memory_space<vmem>> -> memref<16xi32, #tpu.memory_space<vmem>>
      %dma_wait3A_55 = tpu.memref_slice %arg6[%add3A_38] : memref<512xi32, #tpu.memory_space<hbm>> -> memref<16xi32, #tpu.memory_space<hbm>>
      %dma_wait3A_56 = tpu.memref_slice %arg6[%add3A_38] : memref<512xi32, #tpu.memory_space<hbm>> -> memref<16xi32, #tpu.memory_space<hbm>>
      %dma_wait3A_57 = arith.constant 0 : i32
      %dma_wait3A_58 = tpu.memref_slice %arg16[%dma_wait3A_57] : memref<32xi32, #tpu.memory_space<vmem>> -> memref<16xi32, #tpu.memory_space<vmem>>
      tpu.wait_dma2 semaphore(%run_scoped3A : memref<!tpu.dma_semaphore, #tpu.memory_space<semaphore_mem>>) src(%dma_wait3A_58 : memref<16xi32, #tpu.memory_space<vmem>>) dst(%dma_wait3A_56 : memref<16xi32, #tpu.memory_space<hbm>>)
      tpu.yield
    }) : () -> ()
    %scan3A_39 = arith.constant 0 : i32
    %scan3A_40 = arith.constant 0 : i32
    %scan3A_41 = arith.constant 16 : i32
    %scan3A_42 = arith.addi %scan3A_40, %scan3A_41 : i32
    %scan3A_43 = arith.constant 1 : i32
    %scan3A_44 = scf.for %scan3A_49 = %scan3A_40 to %scan3A_42 step %scan3A_43 iter_args(%scan3A_50 = %scan3A_39) -> (i32)  : i32 {
      %get3A = arith.index_cast %scan3A_49 : i32 to index
      %get3A_51 = tpu.vector_load %arg16[%get3A] {strides = array<i32>} : memref<32xi32, #tpu.memory_space<vmem>>, vector<16xi32>,
      %get3A_52 = vector.shape_cast %get3A_51 : vector<16xi32> to vector<16xi32>
      %slice3A = vector.extract_strided_slice %get3A_52 {offsets = [0], sizes = [1], strides = [1]} : vector<16xi32> to vector<1xi32>
      %squeeze3A = vector.extract %slice3A[0] : i32 from vector<1xi32>
      %get3A_53 = arith.index_cast %scan3A_49 : i32 to index
      %get3A_54 = tpu.vector_load %arg15[%get3A_53] {strides = array<i32>} : memref<32xi32, #tpu.memory_space<vmem>>, vector<16xi32>,
      %get3A_55 = vector.shape_cast %get3A_54 : vector<16xi32> to vector<16xi32>
      %slice3A_56 = vector.extract_strided_slice %get3A_55 {offsets = [0], sizes = [1], strides = [1]} : vector<16xi32> to vector<1xi32>
      %squeeze3A_57 = vector.extract %slice3A_56[0] : i32 from vector<1xi32>
      %xor3A = arith.constant -2147483648 : i32
      %xor3A_58 = arith.xori %squeeze3A_57, %xor3A : i32
      %shift_right_arithmetic3A = arith.constant 30 : i32
      %shift_right_arithmetic3A_59 = arith.shrsi %xor3A_58, %shift_right_arithmetic3A : i32
      %and3A = arith.constant 3 : i32
      %and3A_60 = arith.andi %shift_right_arithmetic3A_59, %and3A : i32
      %eq3A = arith.constant 3 : i32
      %eq3A_61 = arith.cmpi eq, %and3A_60, %eq3A : i32
      %add3A_62 = arith.constant 1 : i32
      %add3A_63 = arith.addi %and3A_60, %add3A_62 : i32
      %shift_left3A = arith.constant 30 : i32
      %shift_left3A_64 = arith.shli %add3A_63, %shift_left3A : i32
      %xor3A_65 = arith.constant -2147483648 : i32
      %xor3A_66 = arith.xori %shift_left3A_64, %xor3A_65 : i32
      %jit3A = arith.constant 2147483647 : i32
      %select_n3A = arith.select %eq3A_61, %jit3A, %xor3A_66 : i32
      %broadcast_in_dim3A_67 = arith.constant 0 : i32
      %broadcast_in_dim3A_68 = vector.broadcast %broadcast_in_dim3A_67 : i32 to vector<16xi32>
      %add3A_69 = vector.broadcast %squeeze3A_57 : i32 to vector<16xi32>
      %add3A_70 = arith.addi %broadcast_in_dim3A_68, %add3A_69 : vector<16xi32>
      %broadcast_in_dim3A_71 = arith.constant 0 : i32
      %broadcast_in_dim3A_72 = vector.broadcast %broadcast_in_dim3A_71 : i32 to vector<16xi32>
      %add3A_73 = vector.broadcast %squeeze3A : i32 to vector<16xi32>
      %add3A_74 = arith.addi %broadcast_in_dim3A_72, %add3A_73 : vector<16xi32>
      %broadcast_in_dim3A_75 = arith.constant 0 : i32
      %broadcast_in_dim3A_76 = vector.broadcast %broadcast_in_dim3A_75 : i32 to vector<16xi32>
      %add3A_77 = vector.broadcast %select_n3A : i32 to vector<16xi32>
      %add3A_78 = arith.addi %broadcast_in_dim3A_76, %add3A_77 : vector<16xi32>
      %broadcast_in_dim3A_79 = arith.constant 0.000000e+00 : f32
      %broadcast_in_dim3A_80 = vector.broadcast %broadcast_in_dim3A_79 : f32 to vector<16xf32>
      %scan3A_81 = arith.constant 0 : i32
      %scan3A_82 = arith.constant 320 : i32
      %scan3A_83 = arith.addi %scan3A_81, %scan3A_82 : i32
      %scan3A_84 = arith.constant 1 : i32
      %scan3A_85 = scf.for %scan3A_94 = %scan3A_81 to %scan3A_83 step %scan3A_84 iter_args(%scan3A_95 = %broadcast_in_dim3A_80) -> (vector<16xf32>)  : i32 {
        %mul3A_96 = arith.constant 16 : i32
        %mul3A_97 = arith.muli %scan3A_94, %mul3A_96 : i32
        %get3A_98 = arith.index_cast %mul3A_97 : i32 to index
        %get3A_99 = tpu.vector_load %arg10[%get3A_98] {strides = array<i32>} : memref<5136xi32, #tpu.memory_space<vmem>>, vector<16xi32>,
        %get3A_100 = vector.shape_cast %get3A_99 : vector<16xi32> to vector<16xi32>
        %mul3A_101 = arith.constant 16 : i32
        %mul3A_102 = arith.muli %scan3A_94, %mul3A_101 : i32
        %add3A_103 = vector.broadcast %mul3A_102 : i32 to vector<16xi32>
        %add3A_104 = arith.addi %iota3A, %add3A_103 : vector<16xi32>
        %gt3A = arith.cmpi sgt, %get3A_100, %add3A_70 : vector<16xi32>
        %lt3A = arith.cmpi slt, %get3A_100, %add3A_78 : vector<16xi32>
        %and3A_105 = arith.andi %gt3A, %lt3A : vector<16xi1>
        %eq3A_106 = arith.cmpi eq, %get3A_100, %add3A_70 : vector<16xi32>
        %lt3A_107 = arith.cmpi slt, %add3A_104, %add3A_74 : vector<16xi32>
        %and3A_108 = arith.andi %eq3A_106, %lt3A_107 : vector<16xi1>
        %or3A = arith.ori %and3A_105, %and3A_108 : vector<16xi1>
        %jit3A_109 = arith.constant 1.000000e+00 : f32
        %jit3A_110 = arith.constant 0.000000e+00 : f32
        %broadcast_in_dim3A_111 = vector.broadcast %jit3A_109 : f32 to vector<16xf32>
        %broadcast_in_dim3A_112 = vector.broadcast %jit3A_110 : f32 to vector<16xf32>
        %select_n3A_113 = arith.select %or3A, %broadcast_in_dim3A_111, %broadcast_in_dim3A_112 : vector<16xi1>, vector<16xf32>
        %add3A_114 = arith.addf %scan3A_95, %select_n3A_113 : vector<16xf32>
        scf.yield %add3A_114 : vector<16xf32>
      }
      %scan3A_86 = arith.constant 320 : i32
      %mul3A_87 = arith.constant 16 : i32
      %mul3A_88 = arith.muli %scan3A_49, %mul3A_87 : i32
      %swap3A_89 = arith.index_cast %mul3A_88 : i32 to index
      %swap3A_90 = tpu.vector_load %arg17[%swap3A_89] {strides = array<i32>} : memref<256xf32, #tpu.memory_space<vmem>>, vector<16xf32>,
      %swap3A_91 = vector.shape_cast %swap3A_90 : vector<16xf32> to vector<16xf32>
      %swap3A_92 = vector.shape_cast %scan3A_85 : vector<16xf32> to vector<16xf32>
      tpu.vector_store %arg17[%swap3A_89], %swap3A_92 {strides = array<i32>} : memref<256xf32, #tpu.memory_space<vmem>>, vector<16xf32>,
      %scan3A_93 = arith.constant 0 : i32
      scf.yield %scan3A_93 : i32
    }
    %scan3A_45 = arith.constant 16 : i32
    %add3A_46 = arith.addi %mul3A_0, %mul3A_21 : i32
    %mul3A_47 = arith.constant 16 : i32
    %mul3A_48 = arith.muli %add3A_46, %mul3A_47 : i32
    "tpu.region"() ({
      %run_scoped3A = tpu.sem_alloc : memref<!tpu.dma_semaphore, #tpu.memory_space<semaphore_mem>>
      %dma_start3A = arith.constant 0 : i32
      %dma_start3A_49 = tpu.memref_slice %arg17[%dma_start3A] : memref<256xf32, #tpu.memory_space<vmem>> -> memref<256xf32, #tpu.memory_space<vmem>>
      %dma_start3A_50 = tpu.memref_slice %arg7[%mul3A_48] : memref<8192xf32, #tpu.memory_space<hbm>> -> memref<256xf32, #tpu.memory_space<hbm>>
      %dma_start3A_51 = tpu.memref_slice %arg7[%mul3A_48] : memref<8192xf32, #tpu.memory_space<hbm>> -> memref<256xf32, #tpu.memory_space<hbm>>
      %dma_start3A_52 = arith.constant 0 : i32
      %dma_start3A_53 = tpu.memref_slice %arg17[%dma_start3A_52] : memref<256xf32, #tpu.memory_space<vmem>> -> memref<256xf32, #tpu.memory_space<vmem>>
      tpu.enqueue_dma source(%dma_start3A_53 : memref<256xf32, #tpu.memory_space<vmem>>) target(%dma_start3A_51 : memref<256xf32, #tpu.memory_space<hbm>>) target_semaphore(%run_scoped3A : memref<!tpu.dma_semaphore, #tpu.memory_space<semaphore_mem>>)
      %dma_wait3A = arith.constant 0 : i32
      %dma_wait3A_54 = tpu.memref_slice %arg17[%dma_wait3A] : memref<256xf32, #tpu.memory_space<vmem>> -> memref<256xf32, #tpu.memory_space<vmem>>
      %dma_wait3A_55 = tpu.memref_slice %arg7[%mul3A_48] : memref<8192xf32, #tpu.memory_space<hbm>> -> memref<256xf32, #tpu.memory_space<hbm>>
      %dma_wait3A_56 = tpu.memref_slice %arg7[%mul3A_48] : memref<8192xf32, #tpu.memory_space<hbm>> -> memref<256xf32, #tpu.memory_space<hbm>>
      %dma_wait3A_57 = arith.constant 0 : i32
      %dma_wait3A_58 = tpu.memref_slice %arg17[%dma_wait3A_57] : memref<256xf32, #tpu.memory_space<vmem>> -> memref<256xf32, #tpu.memory_space<vmem>>
      tpu.wait_dma2 semaphore(%run_scoped3A : memref<!tpu.dma_semaphore, #tpu.memory_space<semaphore_mem>>) src(%dma_wait3A_58 : memref<256xf32, #tpu.memory_space<vmem>>) dst(%dma_wait3A_56 : memref<256xf32, #tpu.memory_space<hbm>>)
      tpu.yield
    }) : () -> ()
    return
  }
}

module attributes {stable_mosaic.version = 14 : i64} {
  func.func @_tc1_body(%arg0: memref<8x5120xf32, #tpu.memory_space<vmem>>, %arg1: memref<512x8xf32, #tpu.memory_space<vmem>>, %arg2: memref<1x5120xi32, #tpu.memory_space<vmem>>, %arg3: memref<1x5120xi32, #tpu.memory_space<vmem>>, %arg4: memref<1x5120xi32, #tpu.memory_space<vmem>>, %arg5: memref<1x16xf32, #tpu.memory_space<vmem>>) attributes {dimension_semantics = [], scalar_prefetch = 0 : i64, scratch_operands = 0 : i64, tpu.core_type = #tpu.core_type<tc>} {
    %get3A = arith.constant 0 : index
    %get3A_0 = arith.constant 0 : index
    %get3A_1 = vector.load %arg0[%get3A, %get3A_0] : memref<8x5120xf32, #tpu.memory_space<vmem>>, vector<8x5120xf32>
    %get3A_2 = arith.constant 0 : index
    %get3A_3 = arith.constant 0 : index
    %get3A_4 = vector.load %arg1[%get3A_2, %get3A_3] : memref<512x8xf32, #tpu.memory_space<vmem>>, vector<512x8xf32>
    %slice3A = vector.extract_strided_slice %get3A_1 {offsets = [0, 0], sizes = [1, 5120], strides = [1, 1]} : vector<8x5120xf32> to vector<1x5120xf32>
    %slice3A_5 = vector.extract_strided_slice %get3A_1 {offsets = [1, 0], sizes = [1, 5120], strides = [1, 1]} : vector<8x5120xf32> to vector<1x5120xf32>
    %slice3A_6 = vector.extract_strided_slice %get3A_1 {offsets = [2, 0], sizes = [1, 5120], strides = [1, 1]} : vector<8x5120xf32> to vector<1x5120xf32>
    %slice3A_7 = vector.extract_strided_slice %get3A_1 {offsets = [3, 0], sizes = [1, 5120], strides = [1, 1]} : vector<8x5120xf32> to vector<1x5120xf32>
    %slice3A_8 = vector.extract_strided_slice %get3A_1 {offsets = [4, 0], sizes = [1, 5120], strides = [1, 1]} : vector<8x5120xf32> to vector<1x5120xf32>
    %slice3A_9 = vector.extract_strided_slice %get3A_1 {offsets = [5, 0], sizes = [1, 5120], strides = [1, 1]} : vector<8x5120xf32> to vector<1x5120xf32>
    %slice3A_10 = vector.extract_strided_slice %get3A_4 {offsets = [0, 0], sizes = [512, 1], strides = [1, 1]} : vector<512x8xf32> to vector<512x1xf32>
    %slice3A_11 = vector.extract_strided_slice %get3A_4 {offsets = [0, 1], sizes = [512, 1], strides = [1, 1]} : vector<512x8xf32> to vector<512x1xf32>
    %slice3A_12 = vector.extract_strided_slice %get3A_4 {offsets = [0, 2], sizes = [512, 1], strides = [1, 1]} : vector<512x8xf32> to vector<512x1xf32>
    %slice3A_13 = vector.extract_strided_slice %get3A_4 {offsets = [0, 3], sizes = [512, 1], strides = [1, 1]} : vector<512x8xf32> to vector<512x1xf32>
    %slice3A_14 = vector.extract_strided_slice %get3A_4 {offsets = [0, 4], sizes = [512, 1], strides = [1, 1]} : vector<512x8xf32> to vector<512x1xf32>
    %sub3A = arith.subf %slice3A_6, %slice3A : vector<1x5120xf32>
    %sub3A_15 = arith.subf %slice3A_7, %slice3A_5 : vector<1x5120xf32>
    %mul3A = arith.mulf %sub3A, %sub3A_15 : vector<1x5120xf32>
    %sub3A_16 = arith.subf %slice3A_12, %slice3A_10 : vector<512x1xf32>
    %sub3A_17 = arith.subf %slice3A_13, %slice3A_11 : vector<512x1xf32>
    %mul3A_18 = arith.mulf %sub3A_16, %sub3A_17 : vector<512x1xf32>
    %min3A = vector.broadcast %slice3A_12 : vector<512x1xf32> to vector<512x5120xf32>
    %min3A_19 = vector.broadcast %slice3A_6 : vector<1x5120xf32> to vector<512x5120xf32>
    %min3A_20 = arith.minimumf %min3A, %min3A_19 : vector<512x5120xf32>
    %max3A = vector.broadcast %slice3A_10 : vector<512x1xf32> to vector<512x5120xf32>
    %max3A_21 = vector.broadcast %slice3A : vector<1x5120xf32> to vector<512x5120xf32>
    %max3A_22 = arith.maximumf %max3A, %max3A_21 : vector<512x5120xf32>
    %sub3A_23 = arith.subf %min3A_20, %max3A_22 : vector<512x5120xf32>
    %max3A_24 = arith.constant 0.000000e+00 : f32
    %max3A_25 = vector.broadcast %max3A_24 : f32 to vector<512x5120xf32>
    %max3A_26 = arith.maximumf %sub3A_23, %max3A_25 : vector<512x5120xf32>
    %min3A_27 = vector.broadcast %slice3A_13 : vector<512x1xf32> to vector<512x5120xf32>
    %min3A_28 = vector.broadcast %slice3A_7 : vector<1x5120xf32> to vector<512x5120xf32>
    %min3A_29 = arith.minimumf %min3A_27, %min3A_28 : vector<512x5120xf32>
    %max3A_30 = vector.broadcast %slice3A_11 : vector<512x1xf32> to vector<512x5120xf32>
    %max3A_31 = vector.broadcast %slice3A_5 : vector<1x5120xf32> to vector<512x5120xf32>
    %max3A_32 = arith.maximumf %max3A_30, %max3A_31 : vector<512x5120xf32>
    %sub3A_33 = arith.subf %min3A_29, %max3A_32 : vector<512x5120xf32>
    %max3A_34 = arith.constant 0.000000e+00 : f32
    %max3A_35 = vector.broadcast %max3A_34 : f32 to vector<512x5120xf32>
    %max3A_36 = arith.maximumf %sub3A_33, %max3A_35 : vector<512x5120xf32>
    %mul3A_37 = arith.mulf %max3A_26, %max3A_36 : vector<512x5120xf32>
    %add3A = vector.broadcast %mul3A_18 : vector<512x1xf32> to vector<512x5120xf32>
    %add3A_38 = vector.broadcast %mul3A : vector<1x5120xf32> to vector<512x5120xf32>
    %add3A_39 = arith.addf %add3A, %add3A_38 : vector<512x5120xf32>
    %sub3A_40 = arith.subf %add3A_39, %mul3A_37 : vector<512x5120xf32>
    %add3A_41 = arith.constant 9.99999996E-13 : f32
    %add3A_42 = vector.broadcast %add3A_41 : f32 to vector<512x5120xf32>
    %add3A_43 = arith.addf %sub3A_40, %add3A_42 : vector<512x5120xf32>
    %div3A = arith.divf %mul3A_37, %add3A_43 : vector<512x5120xf32>
    %iota3A = tpu.iota {dimensions = array<i32: 0>} : vector<512x5120xi32>
    %eq3A = vector.broadcast %slice3A_14 : vector<512x1xf32> to vector<512x5120xf32>
    %eq3A_44 = vector.broadcast %slice3A_9 : vector<1x5120xf32> to vector<512x5120xf32>
    %eq3A_45 = arith.cmpf oeq, %eq3A, %eq3A_44 : vector<512x5120xf32>
    %jit3A = arith.constant 0.000000e+00 : f32
    %broadcast_in_dim3A = vector.broadcast %jit3A : f32 to vector<512x5120xf32>
    %select_n3A = arith.select %eq3A_45, %div3A, %broadcast_in_dim3A : vector<512x5120xi1>, vector<512x5120xf32>
    %reduce_max3A = arith.constant dense<0xFF800000> : vector<5120xf32>
    %reduce_max3A_46 = vector.multi_reduction <maximumf>, %select_n3A, %reduce_max3A [0] : vector<512x5120xf32> to vector<5120xf32>
    %broadcast_in_dim3A_47 = vector.shape_cast %reduce_max3A_46 : vector<5120xf32> to vector<1x5120xf32>
    %eq3A_48 = vector.broadcast %broadcast_in_dim3A_47 : vector<1x5120xf32> to vector<512x5120xf32>
    %eq3A_49 = arith.cmpf oeq, %select_n3A, %eq3A_48 : vector<512x5120xf32>
    %jit3A_50 = arith.constant 512 : i32
    %broadcast_in_dim3A_51 = vector.broadcast %jit3A_50 : i32 to vector<512x5120xi32>
    %select_n3A_52 = arith.select %eq3A_49, %iota3A, %broadcast_in_dim3A_51 : vector<512x5120xi1>, vector<512x5120xi32>
    %reduce_min3A = arith.constant dense<2147483647> : vector<5120xi32>
    %reduce_min3A_53 = vector.multi_reduction <minsi>, %select_n3A_52, %reduce_min3A [0] : vector<512x5120xi32> to vector<5120xi32>
    %broadcast_in_dim3A_54 = vector.shape_cast %reduce_min3A_53 : vector<5120xi32> to vector<1x5120xi32>
    %ge3A = arith.constant 1.000000e+00 : f32
    %ge3A_55 = vector.broadcast %ge3A : f32 to vector<1x5120xf32>
    %ge3A_56 = arith.cmpf oge, %slice3A_9, %ge3A_55 : vector<1x5120xf32>
    %gt3A = arith.constant 5.000000e-01 : f32
    %gt3A_57 = vector.broadcast %gt3A : f32 to vector<1x5120xf32>
    %gt3A_58 = arith.cmpf ogt, %broadcast_in_dim3A_47, %gt3A_57 : vector<1x5120xf32>
    %and3A = arith.andi %ge3A_56, %gt3A_58 : vector<1x5120xi1>
    %swap3A = arith.constant 0 : index
    %swap3A_59 = arith.constant 0 : index
    %swap3A_60 = vector.load %arg2[%swap3A, %swap3A_59] : memref<1x5120xi32, #tpu.memory_space<vmem>>, vector<1x5120xi32>
    tpu.vector_store %arg2[%swap3A, %swap3A_59], %broadcast_in_dim3A_54 {strides = array<i32>} : memref<1x5120xi32, #tpu.memory_space<vmem>>, vector<1x5120xi32>,
    %convert_element_type3A = arith.extui %and3A : vector<1x5120xi1> to vector<1x5120xi32>
    %swap3A_61 = arith.constant 0 : index
    %swap3A_62 = arith.constant 0 : index
    %swap3A_63 = vector.load %arg3[%swap3A_61, %swap3A_62] : memref<1x5120xi32, #tpu.memory_space<vmem>>, vector<1x5120xi32>
    tpu.vector_store %arg3[%swap3A_61, %swap3A_62], %convert_element_type3A {strides = array<i32>} : memref<1x5120xi32, #tpu.memory_space<vmem>>, vector<1x5120xi32>,
    %convert_element_type3A_64 = arith.fptosi %slice3A_9 : vector<1x5120xf32> to vector<1x5120xi32>
    %bitcast_convert_type3A = tpu.bitcast %slice3A_8 : vector<1x5120xf32> -> vector<1x5120xi32>
    %shift_left3A = arith.constant 30 : i32
    %shift_left3A_65 = vector.broadcast %shift_left3A : i32 to vector<1x5120xi32>
    %shift_left3A_66 = arith.shli %convert_element_type3A_64, %shift_left3A_65 : vector<1x5120xi32>
    %add3A_67 = arith.addi %shift_left3A_66, %bitcast_convert_type3A : vector<1x5120xi32>
    %xor3A = arith.constant -2147483648 : i32
    %xor3A_68 = vector.broadcast %xor3A : i32 to vector<1x5120xi32>
    %xor3A_69 = arith.xori %add3A_67, %xor3A_68 : vector<1x5120xi32>
    %swap3A_70 = arith.constant 0 : index
    %swap3A_71 = arith.constant 0 : index
    %swap3A_72 = vector.load %arg4[%swap3A_70, %swap3A_71] : memref<1x5120xi32, #tpu.memory_space<vmem>>, vector<1x5120xi32>
    tpu.vector_store %arg4[%swap3A_70, %swap3A_71], %xor3A_69 {strides = array<i32>} : memref<1x5120xi32, #tpu.memory_space<vmem>>, vector<1x5120xi32>,
    %iota3A_73 = tpu.iota {dimensions = array<i32: 1>} : vector<1x16xi32>
    %broadcast_in_dim3A_74 = arith.constant 0.000000e+00 : f32
    %broadcast_in_dim3A_75 = vector.broadcast %broadcast_in_dim3A_74 : f32 to vector<1x16xf32>
    %eq3A_76 = arith.constant 1.000000e+00 : f32
    %eq3A_77 = vector.broadcast %eq3A_76 : f32 to vector<512x1xf32>
    %eq3A_78 = arith.cmpf oeq, %slice3A_14, %eq3A_77 : vector<512x1xf32>
    %convert_element_type3A_79 = arith.extui %eq3A_78 : vector<512x1xi1> to vector<512x1xi32>
    %convert_element_type3A_80 = arith.sitofp %convert_element_type3A_79 : vector<512x1xi32> to vector<512x1xf32>
    %reduce_sum3A = vector.shape_cast %convert_element_type3A_80 : vector<512x1xf32> to vector<1x512x1xf32>
    %reduce_sum3A_81 = arith.constant dense<0.000000e+00> : vector<1xf32>
    %reduce_sum3A_82 = vector.multi_reduction <add>, %reduce_sum3A, %reduce_sum3A_81 [1, 2] : vector<1x512x1xf32> to vector<1xf32>
    %reduce_sum3A_83 = vector.shape_cast %reduce_sum3A_82 : vector<1xf32> to vector<1x1x1xf32>
    %reduce_sum3A_84 = vector.extract %reduce_sum3A_83[0, 0, 0] : f32 from vector<1x1x1xf32>
    %eq3A_85 = arith.constant 1.000000e+00 : f32
    %eq3A_86 = vector.broadcast %eq3A_85 : f32 to vector<1x5120xf32>
    %eq3A_87 = arith.cmpf oeq, %slice3A_9, %eq3A_86 : vector<1x5120xf32>
    %convert_element_type3A_88 = arith.extui %eq3A_87 : vector<1x5120xi1> to vector<1x5120xi32>
    %convert_element_type3A_89 = arith.sitofp %convert_element_type3A_88 : vector<1x5120xi32> to vector<1x5120xf32>
    %reduce_sum3A_90 = vector.shape_cast %convert_element_type3A_89 : vector<1x5120xf32> to vector<1x1x5120xf32>
    %reduce_sum3A_91 = arith.constant dense<0.000000e+00> : vector<1xf32>
    %reduce_sum3A_92 = vector.multi_reduction <add>, %reduce_sum3A_90, %reduce_sum3A_91 [1, 2] : vector<1x1x5120xf32> to vector<1xf32>
    %reduce_sum3A_93 = vector.shape_cast %reduce_sum3A_92 : vector<1xf32> to vector<1x1x1xf32>
    %reduce_sum3A_94 = vector.extract %reduce_sum3A_93[0, 0, 0] : f32 from vector<1x1x1xf32>
    %eq3A_95 = arith.constant 0 : i32
    %eq3A_96 = vector.broadcast %eq3A_95 : i32 to vector<1x16xi32>
    %eq3A_97 = arith.cmpi eq, %iota3A_73, %eq3A_96 : vector<1x16xi32>
    %jit3A_98 = arith.constant 0.000000e+00 : f32
    %broadcast_in_dim3A_99 = vector.broadcast %reduce_sum3A_84 : f32 to vector<1x16xf32>
    %broadcast_in_dim3A_100 = vector.broadcast %jit3A_98 : f32 to vector<1x16xf32>
    %select_n3A_101 = arith.select %eq3A_97, %broadcast_in_dim3A_99, %broadcast_in_dim3A_100 : vector<1x16xi1>, vector<1x16xf32>
    %add3A_102 = arith.addf %broadcast_in_dim3A_75, %select_n3A_101 : vector<1x16xf32>
    %eq3A_103 = arith.constant 3 : i32
    %eq3A_104 = vector.broadcast %eq3A_103 : i32 to vector<1x16xi32>
    %eq3A_105 = arith.cmpi eq, %iota3A_73, %eq3A_104 : vector<1x16xi32>
    %jit3A_106 = arith.constant 0.000000e+00 : f32
    %broadcast_in_dim3A_107 = vector.broadcast %reduce_sum3A_94 : f32 to vector<1x16xf32>
    %broadcast_in_dim3A_108 = vector.broadcast %jit3A_106 : f32 to vector<1x16xf32>
    %select_n3A_109 = arith.select %eq3A_105, %broadcast_in_dim3A_107, %broadcast_in_dim3A_108 : vector<1x16xi1>, vector<1x16xf32>
    %add3A_110 = arith.addf %add3A_102, %select_n3A_109 : vector<1x16xf32>
    %eq3A_111 = arith.constant 2.000000e+00 : f32
    %eq3A_112 = vector.broadcast %eq3A_111 : f32 to vector<512x1xf32>
    %eq3A_113 = arith.cmpf oeq, %slice3A_14, %eq3A_112 : vector<512x1xf32>
    %convert_element_type3A_114 = arith.extui %eq3A_113 : vector<512x1xi1> to vector<512x1xi32>
    %convert_element_type3A_115 = arith.sitofp %convert_element_type3A_114 : vector<512x1xi32> to vector<512x1xf32>
    %reduce_sum3A_116 = vector.shape_cast %convert_element_type3A_115 : vector<512x1xf32> to vector<1x512x1xf32>
    %reduce_sum3A_117 = arith.constant dense<0.000000e+00> : vector<1xf32>
    %reduce_sum3A_118 = vector.multi_reduction <add>, %reduce_sum3A_116, %reduce_sum3A_117 [1, 2] : vector<1x512x1xf32> to vector<1xf32>
    %reduce_sum3A_119 = vector.shape_cast %reduce_sum3A_118 : vector<1xf32> to vector<1x1x1xf32>
    %reduce_sum3A_120 = vector.extract %reduce_sum3A_119[0, 0, 0] : f32 from vector<1x1x1xf32>
    %eq3A_121 = arith.constant 2.000000e+00 : f32
    %eq3A_122 = vector.broadcast %eq3A_121 : f32 to vector<1x5120xf32>
    %eq3A_123 = arith.cmpf oeq, %slice3A_9, %eq3A_122 : vector<1x5120xf32>
    %convert_element_type3A_124 = arith.extui %eq3A_123 : vector<1x5120xi1> to vector<1x5120xi32>
    %convert_element_type3A_125 = arith.sitofp %convert_element_type3A_124 : vector<1x5120xi32> to vector<1x5120xf32>
    %reduce_sum3A_126 = vector.shape_cast %convert_element_type3A_125 : vector<1x5120xf32> to vector<1x1x5120xf32>
    %reduce_sum3A_127 = arith.constant dense<0.000000e+00> : vector<1xf32>
    %reduce_sum3A_128 = vector.multi_reduction <add>, %reduce_sum3A_126, %reduce_sum3A_127 [1, 2] : vector<1x1x5120xf32> to vector<1xf32>
    %reduce_sum3A_129 = vector.shape_cast %reduce_sum3A_128 : vector<1xf32> to vector<1x1x1xf32>
    %reduce_sum3A_130 = vector.extract %reduce_sum3A_129[0, 0, 0] : f32 from vector<1x1x1xf32>
    %eq3A_131 = arith.constant 1 : i32
    %eq3A_132 = vector.broadcast %eq3A_131 : i32 to vector<1x16xi32>
    %eq3A_133 = arith.cmpi eq, %iota3A_73, %eq3A_132 : vector<1x16xi32>
    %jit3A_134 = arith.constant 0.000000e+00 : f32
    %broadcast_in_dim3A_135 = vector.broadcast %reduce_sum3A_120 : f32 to vector<1x16xf32>
    %broadcast_in_dim3A_136 = vector.broadcast %jit3A_134 : f32 to vector<1x16xf32>
    %select_n3A_137 = arith.select %eq3A_133, %broadcast_in_dim3A_135, %broadcast_in_dim3A_136 : vector<1x16xi1>, vector<1x16xf32>
    %add3A_138 = arith.addf %add3A_110, %select_n3A_137 : vector<1x16xf32>
    %eq3A_139 = arith.constant 4 : i32
    %eq3A_140 = vector.broadcast %eq3A_139 : i32 to vector<1x16xi32>
    %eq3A_141 = arith.cmpi eq, %iota3A_73, %eq3A_140 : vector<1x16xi32>
    %jit3A_142 = arith.constant 0.000000e+00 : f32
    %broadcast_in_dim3A_143 = vector.broadcast %reduce_sum3A_130 : f32 to vector<1x16xf32>
    %broadcast_in_dim3A_144 = vector.broadcast %jit3A_142 : f32 to vector<1x16xf32>
    %select_n3A_145 = arith.select %eq3A_141, %broadcast_in_dim3A_143, %broadcast_in_dim3A_144 : vector<1x16xi1>, vector<1x16xf32>
    %add3A_146 = arith.addf %add3A_138, %select_n3A_145 : vector<1x16xf32>
    %eq3A_147 = arith.constant 3.000000e+00 : f32
    %eq3A_148 = vector.broadcast %eq3A_147 : f32 to vector<512x1xf32>
    %eq3A_149 = arith.cmpf oeq, %slice3A_14, %eq3A_148 : vector<512x1xf32>
    %convert_element_type3A_150 = arith.extui %eq3A_149 : vector<512x1xi1> to vector<512x1xi32>
    %convert_element_type3A_151 = arith.sitofp %convert_element_type3A_150 : vector<512x1xi32> to vector<512x1xf32>
    %reduce_sum3A_152 = vector.shape_cast %convert_element_type3A_151 : vector<512x1xf32> to vector<1x512x1xf32>
    %reduce_sum3A_153 = arith.constant dense<0.000000e+00> : vector<1xf32>
    %reduce_sum3A_154 = vector.multi_reduction <add>, %reduce_sum3A_152, %reduce_sum3A_153 [1, 2] : vector<1x512x1xf32> to vector<1xf32>
    %reduce_sum3A_155 = vector.shape_cast %reduce_sum3A_154 : vector<1xf32> to vector<1x1x1xf32>
    %reduce_sum3A_156 = vector.extract %reduce_sum3A_155[0, 0, 0] : f32 from vector<1x1x1xf32>
    %eq3A_157 = arith.constant 3.000000e+00 : f32
    %eq3A_158 = vector.broadcast %eq3A_157 : f32 to vector<1x5120xf32>
    %eq3A_159 = arith.cmpf oeq, %slice3A_9, %eq3A_158 : vector<1x5120xf32>
    %convert_element_type3A_160 = arith.extui %eq3A_159 : vector<1x5120xi1> to vector<1x5120xi32>
    %convert_element_type3A_161 = arith.sitofp %convert_element_type3A_160 : vector<1x5120xi32> to vector<1x5120xf32>
    %reduce_sum3A_162 = vector.shape_cast %convert_element_type3A_161 : vector<1x5120xf32> to vector<1x1x5120xf32>
    %reduce_sum3A_163 = arith.constant dense<0.000000e+00> : vector<1xf32>
    %reduce_sum3A_164 = vector.multi_reduction <add>, %reduce_sum3A_162, %reduce_sum3A_163 [1, 2] : vector<1x1x5120xf32> to vector<1xf32>
    %reduce_sum3A_165 = vector.shape_cast %reduce_sum3A_164 : vector<1xf32> to vector<1x1x1xf32>
    %reduce_sum3A_166 = vector.extract %reduce_sum3A_165[0, 0, 0] : f32 from vector<1x1x1xf32>
    %eq3A_167 = arith.constant 2 : i32
    %eq3A_168 = vector.broadcast %eq3A_167 : i32 to vector<1x16xi32>
    %eq3A_169 = arith.cmpi eq, %iota3A_73, %eq3A_168 : vector<1x16xi32>
    %jit3A_170 = arith.constant 0.000000e+00 : f32
    %broadcast_in_dim3A_171 = vector.broadcast %reduce_sum3A_156 : f32 to vector<1x16xf32>
    %broadcast_in_dim3A_172 = vector.broadcast %jit3A_170 : f32 to vector<1x16xf32>
    %select_n3A_173 = arith.select %eq3A_169, %broadcast_in_dim3A_171, %broadcast_in_dim3A_172 : vector<1x16xi1>, vector<1x16xf32>
    %add3A_174 = arith.addf %add3A_146, %select_n3A_173 : vector<1x16xf32>
    %eq3A_175 = arith.constant 5 : i32
    %eq3A_176 = vector.broadcast %eq3A_175 : i32 to vector<1x16xi32>
    %eq3A_177 = arith.cmpi eq, %iota3A_73, %eq3A_176 : vector<1x16xi32>
    %jit3A_178 = arith.constant 0.000000e+00 : f32
    %broadcast_in_dim3A_179 = vector.broadcast %reduce_sum3A_166 : f32 to vector<1x16xf32>
    %broadcast_in_dim3A_180 = vector.broadcast %jit3A_178 : f32 to vector<1x16xf32>
    %select_n3A_181 = arith.select %eq3A_177, %broadcast_in_dim3A_179, %broadcast_in_dim3A_180 : vector<1x16xi1>, vector<1x16xf32>
    %add3A_182 = arith.addf %add3A_174, %select_n3A_181 : vector<1x16xf32>
    %swap3A_183 = arith.constant 0 : index
    %swap3A_184 = arith.constant 0 : index
    %swap3A_185 = vector.load %arg5[%swap3A_183, %swap3A_184] : memref<1x16xf32, #tpu.memory_space<vmem>>, vector<1x16xf32>
    tpu.vector_store %arg5[%swap3A_183, %swap3A_184], %add3A_182 {strides = array<i32>} : memref<1x16xf32, #tpu.memory_space<vmem>>, vector<1x16xf32>,
    return
  }
}

module attributes {stable_mosaic.version = 14 : i64} {
  func.func @_tc2_body(%arg0: memref<512x1xi32, #tpu.memory_space<vmem>>, %arg1: memref<1x512xi32, #tpu.memory_space<vmem>>, %arg2: memref<512x1xf32, #tpu.memory_space<vmem>>, %arg3: memref<1x512xf32, #tpu.memory_space<vmem>>, %arg4: memref<512x1xf32, #tpu.memory_space<vmem>>, %arg5: memref<512x16xf32, #tpu.memory_space<vmem>>, %arg6: memref<1x16xf32, #tpu.memory_space<vmem>>, %arg7: memref<1x16xf32, #tpu.memory_space<vmem>>, %arg8: memref<1x128xf32, #tpu.memory_space<vmem>>) attributes {dimension_semantics = [], scalar_prefetch = 0 : i64, scratch_operands = 0 : i64, tpu.core_type = #tpu.core_type<tc>} {
    %get3A = arith.constant 0 : index
    %get3A_0 = arith.constant 0 : index
    %get3A_1 = vector.load %arg0[%get3A, %get3A_0] : memref<512x1xi32, #tpu.memory_space<vmem>>, vector<512x1xi32>
    %get3A_2 = arith.constant 0 : index
    %get3A_3 = arith.constant 0 : index
    %get3A_4 = vector.load %arg1[%get3A_2, %get3A_3] : memref<1x512xi32, #tpu.memory_space<vmem>>, vector<1x512xi32>
    %get3A_5 = arith.constant 0 : index
    %get3A_6 = arith.constant 0 : index
    %get3A_7 = vector.load %arg2[%get3A_5, %get3A_6] : memref<512x1xf32, #tpu.memory_space<vmem>>, vector<512x1xf32>
    %get3A_8 = arith.constant 0 : index
    %get3A_9 = arith.constant 0 : index
    %get3A_10 = vector.load %arg3[%get3A_8, %get3A_9] : memref<1x512xf32, #tpu.memory_space<vmem>>, vector<1x512xf32>
    %get3A_11 = arith.constant 0 : index
    %get3A_12 = arith.constant 0 : index
    %get3A_13 = vector.load %arg4[%get3A_11, %get3A_12] : memref<512x1xf32, #tpu.memory_space<vmem>>, vector<512x1xf32>
    %get3A_14 = arith.constant 0 : index
    %get3A_15 = arith.constant 0 : index
    %get3A_16 = vector.load %arg5[%get3A_14, %get3A_15] : memref<512x16xf32, #tpu.memory_space<vmem>>, vector<512x16xf32>
    %reduce_sum3A = arith.constant dense<0.000000e+00> : vector<512xf32>
    %reduce_sum3A_17 = vector.multi_reduction <add>, %get3A_16, %reduce_sum3A [1] : vector<512x16xf32> to vector<512xf32>
    %broadcast_in_dim3A = vector.shape_cast %reduce_sum3A_17 : vector<512xf32> to vector<512x1xf32>
    %get3A_18 = arith.constant 0 : index
    %get3A_19 = arith.constant 0 : index
    %get3A_20 = vector.load %arg6[%get3A_18, %get3A_19] : memref<1x16xf32, #tpu.memory_space<vmem>>, vector<1x16xf32>
    %get3A_21 = arith.constant 0 : index
    %get3A_22 = arith.constant 0 : index
    %get3A_23 = vector.load %arg7[%get3A_21, %get3A_22] : memref<1x16xf32, #tpu.memory_space<vmem>>, vector<1x16xf32>
    %lt3A = arith.constant 5.120000e+03 : f32
    %lt3A_24 = vector.broadcast %lt3A : f32 to vector<512x1xf32>
    %lt3A_25 = arith.cmpf olt, %get3A_7, %lt3A_24 : vector<512x1xf32>
    %lt3A_26 = arith.constant 5.120000e+03 : f32
    %lt3A_27 = vector.broadcast %lt3A_26 : f32 to vector<1x512xf32>
    %lt3A_28 = arith.cmpf olt, %get3A_10, %lt3A_27 : vector<1x512xf32>
    %xor3A = arith.constant -2147483648 : i32
    %xor3A_29 = vector.broadcast %xor3A : i32 to vector<512x1xi32>
    %xor3A_30 = arith.xori %get3A_1, %xor3A_29 : vector<512x1xi32>
    %shift_right_arithmetic3A = arith.constant 30 : i32
    %shift_right_arithmetic3A_31 = vector.broadcast %shift_right_arithmetic3A : i32 to vector<512x1xi32>
    %shift_right_arithmetic3A_32 = arith.shrsi %xor3A_30, %shift_right_arithmetic3A_31 : vector<512x1xi32>
    %and3A = arith.constant 3 : i32
    %and3A_33 = vector.broadcast %and3A : i32 to vector<512x1xi32>
    %and3A_34 = arith.andi %shift_right_arithmetic3A_32, %and3A_33 : vector<512x1xi32>
    %xor3A_35 = arith.constant -2147483648 : i32
    %xor3A_36 = vector.broadcast %xor3A_35 : i32 to vector<1x512xi32>
    %xor3A_37 = arith.xori %get3A_4, %xor3A_36 : vector<1x512xi32>
    %shift_right_arithmetic3A_38 = arith.constant 30 : i32
    %shift_right_arithmetic3A_39 = vector.broadcast %shift_right_arithmetic3A_38 : i32 to vector<1x512xi32>
    %shift_right_arithmetic3A_40 = arith.shrsi %xor3A_37, %shift_right_arithmetic3A_39 : vector<1x512xi32>
    %and3A_41 = arith.constant 3 : i32
    %and3A_42 = vector.broadcast %and3A_41 : i32 to vector<1x512xi32>
    %and3A_43 = arith.andi %shift_right_arithmetic3A_40, %and3A_42 : vector<1x512xi32>
    %eq3A = vector.broadcast %and3A_43 : vector<1x512xi32> to vector<512x512xi32>
    %eq3A_44 = vector.broadcast %and3A_34 : vector<512x1xi32> to vector<512x512xi32>
    %eq3A_45 = arith.cmpi eq, %eq3A, %eq3A_44 : vector<512x512xi32>
    %and3A_46 = vector.broadcast %lt3A_28 : vector<1x512xi1> to vector<512x512xi1>
    %and3A_47 = arith.andi %and3A_46, %eq3A_45 : vector<512x512xi1>
    %gt3A = vector.broadcast %get3A_4 : vector<1x512xi32> to vector<512x512xi32>
    %gt3A_48 = vector.broadcast %get3A_1 : vector<512x1xi32> to vector<512x512xi32>
    %gt3A_49 = arith.cmpi sgt, %gt3A, %gt3A_48 : vector<512x512xi32>
    %eq3A_50 = vector.broadcast %get3A_4 : vector<1x512xi32> to vector<512x512xi32>
    %eq3A_51 = vector.broadcast %get3A_1 : vector<512x1xi32> to vector<512x512xi32>
    %eq3A_52 = arith.cmpi eq, %eq3A_50, %eq3A_51 : vector<512x512xi32>
    %lt3A_53 = vector.broadcast %get3A_10 : vector<1x512xf32> to vector<512x512xf32>
    %lt3A_54 = vector.broadcast %get3A_7 : vector<512x1xf32> to vector<512x512xf32>
    %lt3A_55 = arith.cmpf olt, %lt3A_53, %lt3A_54 : vector<512x512xf32>
    %and3A_56 = arith.andi %eq3A_52, %lt3A_55 : vector<512x512xi1>
    %or3A = arith.ori %gt3A_49, %and3A_56 : vector<512x512xi1>
    %and3A_57 = arith.andi %and3A_47, %or3A : vector<512x512xi1>
    %convert_element_type3A = arith.extui %and3A_57 : vector<512x512xi1> to vector<512x512xi32>
    %convert_element_type3A_58 = arith.sitofp %convert_element_type3A : vector<512x512xi32> to vector<512x512xf32>
    %reduce_sum3A_59 = arith.constant dense<0.000000e+00> : vector<512xf32>
    %reduce_sum3A_60 = vector.multi_reduction <add>, %convert_element_type3A_58, %reduce_sum3A_59 [1] : vector<512x512xf32> to vector<512xf32>
    %broadcast_in_dim3A_61 = vector.shape_cast %reduce_sum3A_60 : vector<512xf32> to vector<512x1xf32>
    %add3A = arith.constant 1.000000e+00 : f32
    %add3A_62 = vector.broadcast %add3A : f32 to vector<512x1xf32>
    %add3A_63 = arith.addf %add3A_62, %broadcast_in_dim3A_61 : vector<512x1xf32>
    %add3A_64 = arith.constant 1.000000e+00 : f32
    %add3A_65 = vector.broadcast %add3A_64 : f32 to vector<512x1xf32>
    %add3A_66 = arith.addf %broadcast_in_dim3A, %add3A_65 : vector<512x1xf32>
    %add3A_67 = arith.constant 9.99999974E-6 : f32
    %add3A_68 = vector.broadcast %add3A_67 : f32 to vector<512x1xf32>
    %add3A_69 = arith.addf %add3A_66, %add3A_68 : vector<512x1xf32>
    %div3A = arith.divf %add3A_63, %add3A_69 : vector<512x1xf32>
    %slice3A = vector.extract_strided_slice %get3A_20 {offsets = [0, 0], sizes = [1, 1], strides = [1, 1]} : vector<1x16xf32> to vector<1x1xf32>
    %squeeze3A = vector.extract %slice3A[0, 0] : f32 from vector<1x1xf32>
    %slice3A_70 = vector.extract_strided_slice %get3A_20 {offsets = [0, 3], sizes = [1, 1], strides = [1, 1]} : vector<1x16xf32> to vector<1x1xf32>
    %squeeze3A_71 = vector.extract %slice3A_70[0, 0] : f32 from vector<1x1xf32>
    %add3A_72 = arith.constant 9.99999974E-6 : f32
    %add3A_73 = arith.addf %squeeze3A, %add3A_72 : f32
    %div3A_74 = vector.broadcast %add3A_73 : f32 to vector<512x1xf32>
    %div3A_75 = arith.divf %add3A_63, %div3A_74 : vector<512x1xf32>
    %eq3A_76 = arith.constant 1.000000e+00 : f32
    %eq3A_77 = vector.broadcast %eq3A_76 : f32 to vector<512x1xf32>
    %eq3A_78 = arith.cmpf oeq, %get3A_13, %eq3A_77 : vector<512x1xf32>
    %and3A_79 = arith.andi %lt3A_25, %eq3A_78 : vector<512x1xi1>
    %ge3A = vector.broadcast %div3A_75 : vector<512x1xf32> to vector<512x16xf32>
    %ge3A_80 = vector.broadcast %get3A_23 : vector<1x16xf32> to vector<512x16xf32>
    %ge3A_81 = arith.cmpf oge, %ge3A, %ge3A_80 : vector<512x16xf32>
    %and3A_82 = vector.broadcast %and3A_79 : vector<512x1xi1> to vector<512x16xi1>
    %and3A_83 = arith.andi %and3A_82, %ge3A_81 : vector<512x16xi1>
    %jit3A = arith.constant 0xFF800000 : f32
    %broadcast_in_dim3A_84 = vector.shape_cast %div3A : vector<512x1xf32> to vector<512x1xf32>
    %broadcast_in_dim3A_85 = vector.broadcast %broadcast_in_dim3A_84 : vector<512x1xf32> to vector<512x16xf32>
    %broadcast_in_dim3A_86 = vector.broadcast %jit3A : f32 to vector<512x16xf32>
    %select_n3A = arith.select %and3A_83, %broadcast_in_dim3A_85, %broadcast_in_dim3A_86 : vector<512x16xi1>, vector<512x16xf32>
    %reduce_max3A = arith.constant dense<0xFF800000> : vector<16xf32>
    %reduce_max3A_87 = vector.multi_reduction <maximumf>, %select_n3A, %reduce_max3A [0] : vector<512x16xf32> to vector<16xf32>
    %broadcast_in_dim3A_88 = vector.shape_cast %reduce_max3A_87 : vector<16xf32> to vector<1x16xf32>
    %convert_element_type3A_89 = arith.extui %and3A_83 : vector<512x16xi1> to vector<512x16xi32>
    %convert_element_type3A_90 = arith.sitofp %convert_element_type3A_89 : vector<512x16xi32> to vector<512x16xf32>
    %reduce_max3A_91 = arith.constant dense<0xFF800000> : vector<16xf32>
    %reduce_max3A_92 = vector.multi_reduction <maximumf>, %convert_element_type3A_90, %reduce_max3A_91 [0] : vector<512x16xf32> to vector<16xf32>
    %broadcast_in_dim3A_93 = vector.shape_cast %reduce_max3A_92 : vector<16xf32> to vector<1x16xf32>
    %gt3A_94 = arith.constant 0.000000e+00 : f32
    %gt3A_95 = vector.broadcast %gt3A_94 : f32 to vector<1x16xf32>
    %gt3A_96 = arith.cmpf ogt, %broadcast_in_dim3A_93, %gt3A_95 : vector<1x16xf32>
    %jit3A_97 = arith.constant 0.000000e+00 : f32
    %broadcast_in_dim3A_98 = vector.broadcast %jit3A_97 : f32 to vector<1x16xf32>
    %select_n3A_99 = arith.select %gt3A_96, %broadcast_in_dim3A_88, %broadcast_in_dim3A_98 : vector<1x16xi1>, vector<1x16xf32>
    %reduce_sum3A_100 = vector.shape_cast %select_n3A_99 : vector<1x16xf32> to vector<1x1x16xf32>
    %reduce_sum3A_101 = arith.constant dense<0.000000e+00> : vector<1xf32>
    %reduce_sum3A_102 = vector.multi_reduction <add>, %reduce_sum3A_100, %reduce_sum3A_101 [1, 2] : vector<1x1x16xf32> to vector<1xf32>
    %reduce_sum3A_103 = vector.shape_cast %reduce_sum3A_102 : vector<1xf32> to vector<1x1x1xf32>
    %reduce_sum3A_104 = vector.extract %reduce_sum3A_103[0, 0, 0] : f32 from vector<1x1x1xf32>
    %div3A_105 = arith.constant 1.100000e+01 : f32
    %div3A_106 = arith.divf %reduce_sum3A_104, %div3A_105 : f32
    %gt3A_107 = arith.constant 0.000000e+00 : f32
    %gt3A_108 = arith.cmpf ogt, %squeeze3A_71, %gt3A_107 : f32
    %gt3A_109 = arith.constant 0.000000e+00 : f32
    %gt3A_110 = arith.cmpf ogt, %squeeze3A, %gt3A_109 : f32
    %and3A_111 = arith.andi %gt3A_108, %gt3A_110 : i1
    %jit3A_112 = arith.constant 0.000000e+00 : f32
    %select_n3A_113 = arith.select %and3A_111, %div3A_106, %jit3A_112 : f32
    %add3A_114 = arith.constant 0.000000e+00 : f32
    %add3A_115 = arith.addf %add3A_114, %select_n3A_113 : f32
    %slice3A_116 = vector.extract_strided_slice %get3A_20 {offsets = [0, 1], sizes = [1, 1], strides = [1, 1]} : vector<1x16xf32> to vector<1x1xf32>
    %squeeze3A_117 = vector.extract %slice3A_116[0, 0] : f32 from vector<1x1xf32>
    %slice3A_118 = vector.extract_strided_slice %get3A_20 {offsets = [0, 4], sizes = [1, 1], strides = [1, 1]} : vector<1x16xf32> to vector<1x1xf32>
    %squeeze3A_119 = vector.extract %slice3A_118[0, 0] : f32 from vector<1x1xf32>
    %add3A_120 = arith.constant 9.99999974E-6 : f32
    %add3A_121 = arith.addf %squeeze3A_117, %add3A_120 : f32
    %div3A_122 = vector.broadcast %add3A_121 : f32 to vector<512x1xf32>
    %div3A_123 = arith.divf %add3A_63, %div3A_122 : vector<512x1xf32>
    %eq3A_124 = arith.constant 2.000000e+00 : f32
    %eq3A_125 = vector.broadcast %eq3A_124 : f32 to vector<512x1xf32>
    %eq3A_126 = arith.cmpf oeq, %get3A_13, %eq3A_125 : vector<512x1xf32>
    %and3A_127 = arith.andi %lt3A_25, %eq3A_126 : vector<512x1xi1>
    %ge3A_128 = vector.broadcast %div3A_123 : vector<512x1xf32> to vector<512x16xf32>
    %ge3A_129 = vector.broadcast %get3A_23 : vector<1x16xf32> to vector<512x16xf32>
    %ge3A_130 = arith.cmpf oge, %ge3A_128, %ge3A_129 : vector<512x16xf32>
    %and3A_131 = vector.broadcast %and3A_127 : vector<512x1xi1> to vector<512x16xi1>
    %and3A_132 = arith.andi %and3A_131, %ge3A_130 : vector<512x16xi1>
    %jit3A_133 = arith.constant 0xFF800000 : f32
    %broadcast_in_dim3A_134 = vector.shape_cast %div3A : vector<512x1xf32> to vector<512x1xf32>
    %broadcast_in_dim3A_135 = vector.broadcast %broadcast_in_dim3A_134 : vector<512x1xf32> to vector<512x16xf32>
    %broadcast_in_dim3A_136 = vector.broadcast %jit3A_133 : f32 to vector<512x16xf32>
    %select_n3A_137 = arith.select %and3A_132, %broadcast_in_dim3A_135, %broadcast_in_dim3A_136 : vector<512x16xi1>, vector<512x16xf32>
    %reduce_max3A_138 = arith.constant dense<0xFF800000> : vector<16xf32>
    %reduce_max3A_139 = vector.multi_reduction <maximumf>, %select_n3A_137, %reduce_max3A_138 [0] : vector<512x16xf32> to vector<16xf32>
    %broadcast_in_dim3A_140 = vector.shape_cast %reduce_max3A_139 : vector<16xf32> to vector<1x16xf32>
    %convert_element_type3A_141 = arith.extui %and3A_132 : vector<512x16xi1> to vector<512x16xi32>
    %convert_element_type3A_142 = arith.sitofp %convert_element_type3A_141 : vector<512x16xi32> to vector<512x16xf32>
    %reduce_max3A_143 = arith.constant dense<0xFF800000> : vector<16xf32>
    %reduce_max3A_144 = vector.multi_reduction <maximumf>, %convert_element_type3A_142, %reduce_max3A_143 [0] : vector<512x16xf32> to vector<16xf32>
    %broadcast_in_dim3A_145 = vector.shape_cast %reduce_max3A_144 : vector<16xf32> to vector<1x16xf32>
    %gt3A_146 = arith.constant 0.000000e+00 : f32
    %gt3A_147 = vector.broadcast %gt3A_146 : f32 to vector<1x16xf32>
    %gt3A_148 = arith.cmpf ogt, %broadcast_in_dim3A_145, %gt3A_147 : vector<1x16xf32>
    %jit3A_149 = arith.constant 0.000000e+00 : f32
    %broadcast_in_dim3A_150 = vector.broadcast %jit3A_149 : f32 to vector<1x16xf32>
    %select_n3A_151 = arith.select %gt3A_148, %broadcast_in_dim3A_140, %broadcast_in_dim3A_150 : vector<1x16xi1>, vector<1x16xf32>
    %reduce_sum3A_152 = vector.shape_cast %select_n3A_151 : vector<1x16xf32> to vector<1x1x16xf32>
    %reduce_sum3A_153 = arith.constant dense<0.000000e+00> : vector<1xf32>
    %reduce_sum3A_154 = vector.multi_reduction <add>, %reduce_sum3A_152, %reduce_sum3A_153 [1, 2] : vector<1x1x16xf32> to vector<1xf32>
    %reduce_sum3A_155 = vector.shape_cast %reduce_sum3A_154 : vector<1xf32> to vector<1x1x1xf32>
    %reduce_sum3A_156 = vector.extract %reduce_sum3A_155[0, 0, 0] : f32 from vector<1x1x1xf32>
    %div3A_157 = arith.constant 1.100000e+01 : f32
    %div3A_158 = arith.divf %reduce_sum3A_156, %div3A_157 : f32
    %gt3A_159 = arith.constant 0.000000e+00 : f32
    %gt3A_160 = arith.cmpf ogt, %squeeze3A_119, %gt3A_159 : f32
    %gt3A_161 = arith.constant 0.000000e+00 : f32
    %gt3A_162 = arith.cmpf ogt, %squeeze3A_117, %gt3A_161 : f32
    %and3A_163 = arith.andi %gt3A_160, %gt3A_162 : i1
    %jit3A_164 = arith.constant 0.000000e+00 : f32
    %select_n3A_165 = arith.select %and3A_163, %div3A_158, %jit3A_164 : f32
    %add3A_166 = arith.addf %add3A_115, %select_n3A_165 : f32
    %slice3A_167 = vector.extract_strided_slice %get3A_20 {offsets = [0, 2], sizes = [1, 1], strides = [1, 1]} : vector<1x16xf32> to vector<1x1xf32>
    %squeeze3A_168 = vector.extract %slice3A_167[0, 0] : f32 from vector<1x1xf32>
    %slice3A_169 = vector.extract_strided_slice %get3A_20 {offsets = [0, 5], sizes = [1, 1], strides = [1, 1]} : vector<1x16xf32> to vector<1x1xf32>
    %squeeze3A_170 = vector.extract %slice3A_169[0, 0] : f32 from vector<1x1xf32>
    %add3A_171 = arith.constant 9.99999974E-6 : f32
    %add3A_172 = arith.addf %squeeze3A_168, %add3A_171 : f32
    %div3A_173 = vector.broadcast %add3A_172 : f32 to vector<512x1xf32>
    %div3A_174 = arith.divf %add3A_63, %div3A_173 : vector<512x1xf32>
    %eq3A_175 = arith.constant 3.000000e+00 : f32
    %eq3A_176 = vector.broadcast %eq3A_175 : f32 to vector<512x1xf32>
    %eq3A_177 = arith.cmpf oeq, %get3A_13, %eq3A_176 : vector<512x1xf32>
    %and3A_178 = arith.andi %lt3A_25, %eq3A_177 : vector<512x1xi1>
    %ge3A_179 = vector.broadcast %div3A_174 : vector<512x1xf32> to vector<512x16xf32>
    %ge3A_180 = vector.broadcast %get3A_23 : vector<1x16xf32> to vector<512x16xf32>
    %ge3A_181 = arith.cmpf oge, %ge3A_179, %ge3A_180 : vector<512x16xf32>
    %and3A_182 = vector.broadcast %and3A_178 : vector<512x1xi1> to vector<512x16xi1>
    %and3A_183 = arith.andi %and3A_182, %ge3A_181 : vector<512x16xi1>
    %jit3A_184 = arith.constant 0xFF800000 : f32
    %broadcast_in_dim3A_185 = vector.shape_cast %div3A : vector<512x1xf32> to vector<512x1xf32>
    %broadcast_in_dim3A_186 = vector.broadcast %broadcast_in_dim3A_185 : vector<512x1xf32> to vector<512x16xf32>
    %broadcast_in_dim3A_187 = vector.broadcast %jit3A_184 : f32 to vector<512x16xf32>
    %select_n3A_188 = arith.select %and3A_183, %broadcast_in_dim3A_186, %broadcast_in_dim3A_187 : vector<512x16xi1>, vector<512x16xf32>
    %reduce_max3A_189 = arith.constant dense<0xFF800000> : vector<16xf32>
    %reduce_max3A_190 = vector.multi_reduction <maximumf>, %select_n3A_188, %reduce_max3A_189 [0] : vector<512x16xf32> to vector<16xf32>
    %broadcast_in_dim3A_191 = vector.shape_cast %reduce_max3A_190 : vector<16xf32> to vector<1x16xf32>
    %convert_element_type3A_192 = arith.extui %and3A_183 : vector<512x16xi1> to vector<512x16xi32>
    %convert_element_type3A_193 = arith.sitofp %convert_element_type3A_192 : vector<512x16xi32> to vector<512x16xf32>
    %reduce_max3A_194 = arith.constant dense<0xFF800000> : vector<16xf32>
    %reduce_max3A_195 = vector.multi_reduction <maximumf>, %convert_element_type3A_193, %reduce_max3A_194 [0] : vector<512x16xf32> to vector<16xf32>
    %broadcast_in_dim3A_196 = vector.shape_cast %reduce_max3A_195 : vector<16xf32> to vector<1x16xf32>
    %gt3A_197 = arith.constant 0.000000e+00 : f32
    %gt3A_198 = vector.broadcast %gt3A_197 : f32 to vector<1x16xf32>
    %gt3A_199 = arith.cmpf ogt, %broadcast_in_dim3A_196, %gt3A_198 : vector<1x16xf32>
    %jit3A_200 = arith.constant 0.000000e+00 : f32
    %broadcast_in_dim3A_201 = vector.broadcast %jit3A_200 : f32 to vector<1x16xf32>
    %select_n3A_202 = arith.select %gt3A_199, %broadcast_in_dim3A_191, %broadcast_in_dim3A_201 : vector<1x16xi1>, vector<1x16xf32>
    %reduce_sum3A_203 = vector.shape_cast %select_n3A_202 : vector<1x16xf32> to vector<1x1x16xf32>
    %reduce_sum3A_204 = arith.constant dense<0.000000e+00> : vector<1xf32>
    %reduce_sum3A_205 = vector.multi_reduction <add>, %reduce_sum3A_203, %reduce_sum3A_204 [1, 2] : vector<1x1x16xf32> to vector<1xf32>
    %reduce_sum3A_206 = vector.shape_cast %reduce_sum3A_205 : vector<1xf32> to vector<1x1x1xf32>
    %reduce_sum3A_207 = vector.extract %reduce_sum3A_206[0, 0, 0] : f32 from vector<1x1x1xf32>
    %div3A_208 = arith.constant 1.100000e+01 : f32
    %div3A_209 = arith.divf %reduce_sum3A_207, %div3A_208 : f32
    %gt3A_210 = arith.constant 0.000000e+00 : f32
    %gt3A_211 = arith.cmpf ogt, %squeeze3A_170, %gt3A_210 : f32
    %gt3A_212 = arith.constant 0.000000e+00 : f32
    %gt3A_213 = arith.cmpf ogt, %squeeze3A_168, %gt3A_212 : f32
    %and3A_214 = arith.andi %gt3A_211, %gt3A_213 : i1
    %jit3A_215 = arith.constant 0.000000e+00 : f32
    %select_n3A_216 = arith.select %and3A_214, %div3A_209, %jit3A_215 : f32
    %add3A_217 = arith.addf %add3A_166, %select_n3A_216 : f32
    %div3A_218 = arith.constant 3.000000e+00 : f32
    %div3A_219 = arith.divf %add3A_217, %div3A_218 : f32
    %broadcast_in_dim3A_220 = vector.broadcast %div3A_219 : f32 to vector<1x128xf32>
    %swap3A = arith.constant 0 : index
    %swap3A_221 = arith.constant 0 : index
    %swap3A_222 = vector.load %arg8[%swap3A, %swap3A_221] : memref<1x128xf32, #tpu.memory_space<vmem>>, vector<1x128xf32>
    tpu.vector_store %arg8[%swap3A, %swap3A_221], %broadcast_in_dim3A_220 {strides = array<i32>} : memref<1x128xf32, #tpu.memory_space<vmem>>, vector<1x128xf32>,
    return
  }
}

</mosaic_0001>

<sc_bundles>
// kernel: kernel.5.cloned.1.call-start
scs
__scs_entry_jumppad:
0x0: {  	(pc) =	sbr.rel $0x88, $3  }
0x1: {  	(tag) =	ssettag $0x0;
	lr =	simm.s32 $0x1  }
0x2: {  	[smem:$0x3F9C] =	sst lr;
	_ =	strace $0xD0000000  }
0x3: {  	_ = 	snop  }
0x4: {  	_ = 	snop  }
0x5: {  	_ = 	snop  }
0x6: {  	_ = 	snop  }
0x7: {  	_ = 	snop  }
__scs_overlays_trampoline_lowered:
0x8: {  	[smem:$0x3FAB] =	sst s0  }
0x9: {  	[smem:$0x3FAC] =	sst s1  }
0xa: {  	[smem:$0x3FAD] =	sst s2  }
0xb: {  	[smem:$0x3FAE] =	sst s3  }
0xc: {  	[smem:$0x3FAF] =	sst s4  }
0xd: {  	[smem:$0x3FB0] =	sst s5  }
0xe: {  	[smem:$0x3FB1] =	sst s6  }
0xf: {  	[smem:$0x3FB2] =	sst s7  }
0x10: {  	[smem:$0x3FB3] =	sst s8  }
0x11: {  	[smem:$0x3FB4] =	sst s9;
	s0 =	simm.s32 @!p0 $0x0  }
0x12: {  	s1 =	sld [smem:$0x3F9A];
	s0 =	simm.s32 @p0 $0x1  }
0x13: {  	[smem:$0x3FB5] =	sst s0;
	s0 =	simm.s32 @!p1 $0x0  }
0x14: {  	s2 =	sld [smem:$0x3F99];
	s0 =	simm.s32 @p1 $0x1  }
0x15: {  	[smem:$0x3FB6] =	sst s0;
	s0 =	simm.s32 @!p2 $0x0  }
0x16: {  	s3 =	sld [smem:$0x3FDB];
	s0 =	simm.s32 @p2 $0x1  }
0x17: {  	s4 =	simm.s32 $0x1BF5;
	[smem:$0x3FB8] =	sst s0  }
0x18: {  	s0 =	sld [smem:$0x3F9B];
	_ =	swait.ge [sflag:s4], $0x0  }
0x19: {  	s7 =	sld [smem:$0x3F9C]  }
0x1a: {  	s8 =	sadd.s32 $0xFFFFE003, lr  }
0x1b: {  	s9 =	sadd.s32 $0xFFFFFEF7, lr;
	s5 =	simm.s32 $0xFFFFFFFF;
	p2 =	slt.u32 s8, $0xFFFFF086  }
0x1c: {  	p1 =	slt.u32 s9, $0xF7A;
	s5 =	simm.s32 @!p2 $0x0  }
0x1d: {  	s5 =	simm.s32 @p1 $0x1;
	p0 =	seq.s32 s7, s2  }
0x1e: {  	s7 =	smul.u32 @!p0 $0xF7A, s2;
	p2 =	seq.s32 @!p0 s5, $0x0  }
0x1f: {  	s9 =	smul.u32 $0xF7A, s1;
	s8 =	simm.s32 @!p0 $0x1BF5;
	p2 =	por !p2, p0  }
0x20: {  	[sflag:s8] =	ssyncset.s32 @!p0 $0xFFFFF086;
	s6 =	sadd.s32 @!p0 s3, s7;
	s7 =	simm.s32 @!p0 $0x108  }
0x21: {  	s3 =	sadd.s32 s3, s9;
	s6 =	sadd.s32 @!p0 $0x88, s6;
	s7 =	simm.s32 @p2 $0x1082  }
0x22: {  	[simem:s7], [sflag:s8] =	dma.local @!p0 [hbm:s6], $0xF7A  }
0x23: {  	s9 =	sor.u32 $0xD0000000, s2;
	s6 =	simm.s32 $0x108;
	_ =	swait.ge @!p0 [sflag:s8], $0x0  }
0x24: {  	s3 =	sadd.s32 $0x88, s3;
	s6 =	simm.s32 @!p1 $0x1082;
	[sflag:s4] =	ssyncset.s32 $0xFFFFF086  }
0x25: {  	[simem:s6], [sflag:s4] =	dma.local [hbm:s3], $0xF7A  }
0x26: {  	[smem:$0x3F9C] =	sst s1;
	(tag) =	ssettag s2;
	_ =	strace s9  }
0x27: {  	s1 =	sld [smem:$0x3FAC]  }
0x28: {  	s2 =	sld [smem:$0x3FAD]  }
0x29: {  	s4 =	sld [smem:$0x3FAF]  }
0x2a: {  	p0 =	seq.s32 s5, $0x0;
	s5 =	sld [smem:$0x3FB0]  }
0x2b: {  	s6 =	sld [smem:$0x3FB1]  }
0x2c: {  	s7 =	sld [smem:$0x3FB2]  }
0x2d: {  	s3 =	simm.s32 $0x108;
	s8 =	sld [smem:$0x3FB3]  }
0x2e: {  	s3 =	simm.s32 @!p0 $0x1082;
	s9 =	sld [smem:$0x3FB4]  }
0x2f: {  	lr =	sadd.s32 s0, s3;
	s0 =	sld [smem:$0x3FAB]  }
0x30: {  	s3 =	sld [smem:$0x3FAE]  }
0x31: {  	[smem:$0x3FB7] =	sst s10  }
0x32: {  	s10 =	sld [smem:$0x3FB5];
	_ =	sdelay $0x3  }
0x33: {  	p0 =	seq.s32 s10, $0x1;
	s10 =	sld [smem:$0x3FB7];
	_ =	sdelay $0x3  }
0x34: {  	[smem:$0x3FB7] =	sst s10  }
0x35: {  	s10 =	sld [smem:$0x3FB6];
	_ =	sdelay $0x3  }
0x36: {  	p1 =	seq.s32 s10, $0x1;
	s10 =	sld [smem:$0x3FB7];
	_ =	sdelay $0x3  }
0x37: {  	[smem:$0x3FB7] =	sst s10  }
0x38: {  	s10 =	sld [smem:$0x3FB8]  }
0x39: {  	_ = 	snop;
	(pc) =	sbr.ind lr, $3  }
0x3a: {  	_ = 	snop  }
0x3b: {  	_ = 	snop  }
0x3c: {  	p2 =	seq.s32 s10, $0x1;
	s10 =	sld [smem:$0x3FB7]  }
0x3d: {  	_ =	shalt  }
0x3e: {  	_ =	shalt  }
0x3f: {  	_ =	shalt  }
0x40: {  	_ =	shalt  }
0x41: {  	_ =	shalt  }
0x42: {  	_ =	shalt  }
0x43: {  	_ =	shalt  }
0x44: {  	_ =	shalt  }
0x45: {  	_ =	shalt  }
0x46: {  	_ =	shalt  }
0x47: {  	_ =	shalt  }
0x48: {  	_ =	shalt  }
0x49: {  	_ =	shalt  }
0x4a: {  	_ =	shalt  }
0x4b: {  	_ =	shalt  }
0x4c: {  	_ =	shalt  }
0x4d: {  	_ =	shalt  }
0x4e: {  	_ =	shalt  }
0x4f: {  	_ =	shalt  }
0x50: {  	_ =	shalt  }
0x51: {  	_ =	shalt  }
0x52: {  	_ =	shalt  }
0x53: {  	_ =	shalt  }
0x54: {  	_ =	shalt  }
0x55: {  	_ =	shalt  }
0x56: {  	_ =	shalt  }
0x57: {  	_ =	shalt  }
0x58: {  	_ =	shalt  }
0x59: {  	_ =	shalt  }
0x5a: {  	_ =	shalt  }
0x5b: {  	_ =	shalt  }
0x5c: {  	_ =	shalt  }
0x5d: {  	_ =	shalt  }
0x5e: {  	_ =	shalt  }
0x5f: {  	_ =	shalt  }
0x60: {  	_ =	shalt  }
0x61: {  	_ =	shalt  }
0x62: {  	_ =	shalt  }
0x63: {  	_ =	shalt  }
0x64: {  	_ =	shalt  }
0x65: {  	_ =	shalt  }
0x66: {  	_ =	shalt  }
0x67: {  	_ =	shalt  }
0x68: {  	_ =	shalt  }
0x69: {  	_ =	shalt  }
0x6a: {  	_ =	shalt  }
0x6b: {  	_ =	shalt  }
0x6c: {  	_ =	shalt  }
0x6d: {  	_ =	shalt  }
0x6e: {  	_ =	shalt  }
0x6f: {  	_ =	shalt  }
0x70: {  	_ =	shalt  }
0x71: {  	_ =	shalt  }
0x72: {  	_ =	shalt  }
0x73: {  	_ =	shalt  }
0x74: {  	_ =	shalt  }
0x75: {  	_ =	shalt  }
0x76: {  	_ =	shalt  }
0x77: {  	_ =	shalt  }
0x78: {  	_ =	shalt  }
0x79: {  	_ =	shalt  }
0x7a: {  	_ =	shalt  }
0x7b: {  	_ =	shalt  }
0x7c: {  	_ =	shalt  }
0x7d: {  	_ =	shalt  }
0x7e: {  	_ =	shalt  }
0x7f: {  	_ =	shalt  }
0x80: {  	_ =	shalt  }
0x81: {  	_ =	shalt  }
0x82: {  	_ =	shalt  }
0x83: {  	_ =	shalt  }
0x84: {  	_ =	shalt  }
0x85: {  	_ =	shalt  }
0x86: {  	_ =	shalt  }
0x87: {  	_ =	shalt  }
.Lfunc_end0:
.L_simem_size_0:
called_computation_lowered:
.L_overlay_start_0:
0x88: {  	s2 =	sld [smem:$0x3FD9]  }
0x89: {  	s3 =	sld [smem:$0x3FFE];
	_ =	sdelay $0x1  }
0x8a: {  	s1 =	srdreg.scid  }
0x8b: {  	s0 =	sand.u32 $0x1, s1  }
0x8c: {  	s16 =	sshll.u32 s0, $0xA;
	s2 =	sadd.s32 s3, s2  }
0x8d: {  	s2 =	sadd.s32 s2, s16  }
0x8e: {  	[smem:$0x3FC3] =	sst s2  }
0x8f: {  	_ = 	snop  }
0x90: {  	(tm) =	ssettm $0x1  }
0x91: {  	s17 =	sld [smem:$0x3FFB];
	_ =	sdelay $0x3  }
0x92: {  	_ =	strace s17  }
0x93: {  	s2 =	sld [smem:$0x3FFC];
	_ =	sdelay $0x3  }
0x94: {  	_ =	strace s2  }
0x95: {  	s2 =	sld [smem:$0x3FFD];
	_ =	sdelay $0x3  }
0x96: {  	_ =	strace s2  }
0x97: {  	_ =	strace $0x8FFFFFFF  }
0x98: {  	s18 =	sld [smem:$0x3FDB];
	_ =	sdelay $0x1  }
0x99: {  	s19 =	simm.s32 $_scs_section_size  }
0x9a: {  	s4 =	simm.s32 $_size__tile_overlayer_lowered;
	s5 =	simm.s32 $_tile_overlayer_lowered  }
0x9b: {  	s22 =	simm.s32 $0x1BFF;
	s21 =	sshll.u32 s5, $0x1;
	s2 =	sadd.s32 s19, s18  }
0x9c: {  	s6 =	simm.s32 $0x0;
	s20 =	sshll.u32 s4, $0x1;
	s4 =	sadd.s32 s21, s2  }
0x9d: {  	[timem:s6], [sflag:s22] =	dma.local [hbm:s4], s20  }
0x9e: {  	_ =	swait.ge [sflag:s22], s20  }
0x9f: {  	s3 =	ssub.s32 $0x0, s20;
	[sflag:s22] =	ssyncset.done $0x0  }
0xa0: {  	[sflag:s22] =	ssyncadd.s32 s3;
	_ =	sdelay $0x1  }
0xa1: {  	s23 =	simm.s32 $0x1B8B  }
0xa2: {  	_ =	swait.ge [sflag:s23], $0x1  }
0xa3: {  	[sflag:s23] =	ssyncset.done $0x0  }
0xa4: {  	s25 =	simm.s32 $0x1B8E;
	s24 =	sld [smem:$0x3FFE];
	[sflag:s23] =	ssyncadd.s32 $0xFFFFFFFF  }
0xa5: {  	s26 =	simm.s32 $execute0_lowered;
	[smem:$0x3FD2] =	sst s25  }
0xa6: {  	s4 =	sshll.u32 s26, $0x1;
	_ =	strace $0x80000046;
	[dreg:$0x1] =	wrdreg $0xFFFFFFFF  }
0xa7: {  	s28 =	simm.s32 $_size_execute0_lowered;
	s2 =	sadd.s32 s2, s4;
	[dreg:$0x0] =	wrdreg $0x0  }
0xa8: {  	s4 =	sshll.u32 s28, $0x1;
	[dreg:$0x2] =	wrdreg s2  }
0xa9: {  	[dreg:$0x3] =	wrdreg s4  }
0xaa: {  	[dreg:$0x4] =	wrdreg $0xC0  }
0xab: {  	_ =	task [dreg:s6], $0x5FFFF  }
0xac: {  	[dreg:$0x1] =	wrdreg $0xFFFFFFFF  }
0xad: {  	[dreg:$0x0] =	wrdreg $0x60  }
0xae: {  	[dreg:$0x2] =	wrdreg s24  }
0xaf: {  	[dreg:$0x3] =	wrdreg $0x1D800  }
0xb0: {  	[dreg:$0x4] =	wrdreg $0x1E800  }
0xb1: {  	[dreg:$0x5] =	wrdreg $0x9  }
0xb2: {  	_ =	task.clear_ibuf [dreg:s6], $0x6FFFF;
	_ =	strace $0x90000046  }
0xb3: {  	s29 =	simm.s32 $0x9;
	_ =	strace $0x80000048  }
0xb4: {  	_ =	swait.ge [sflag:s29], $0x1  }
0xb5: {  	[sflag:s29] =	ssyncadd.s32 $0xFFFFFFFF  }
0xb6: {  	_ =	strace $0x90000048  }
0xb7: {  	_ =	sfence  }
0xb8: {  	s30 =	sld [smem:$0x0];
	_ =	sdelay $0x2  }
0xb9: {  	s31 =	sshll.u32 s1, $0xD;
	s1 =	sshrl.u32 s1, $0x2  }
0xba: {  	s3 =	sand.u32 $0x4000, s31;
	s1 =	sadd.s32 s1, s30  }
0xbb: {  	s0 =	sor.u32 s3, s0;
	s1 =	sshll.u32 s1, $0x11  }
0xbc: {  	s0 =	sor.u32 s1, s0  }
0xbd: {  	s0 =	sadd.s32 $0x8F2B, s0  }
0xbe: {  	[sflag:s0] =	ssyncadd.remote.s32 $0x1  }
0xbf: {  	_ =	sfence.sel $0xFFFF  }
0xc0: {  	[dreg:$0x0] =	wrdreg $0xFFFFFFFF;
	(pc) =	sbr.abs _section_cstart, $3  }
0xc1: {  	[dreg:$0x1] =	wrdreg $0xFFFFFFFF  }
0xc2: {  	_ =	task.clear_ibuf [dreg:s6], $0x2FFFF;
	_ =	strace $0x9FFFFFFF  }
0xc3: {  	(tm) =	ssettm $0x7FFFFFFF  }
tec
execute0_lowered:
.L_overlay_start_1:
0x0: {  	(tag) =	ssettag $0x1  }
0x1: {  	s6 =	rddreg [dreg:$0x0]  }
0x2: {  	s14 =	rddreg [dreg:$0x1]  }
0x3: {  	s15 =	rddreg [dreg:$0x2];
	s0 =	stileid.u32  }
0x4: {  	s2 =	simm.s32 $0x0;
	s4 =	srdreg.scid;
	s19 =	simm.s32 $0x1780  }
0x5: {  	s20 =	simm.s32 $0x1900;
	s21 =	simm.s32 $0x1A80;
	s22 =	simm.s32 $0x1B00  }
0x6: {  	s23 =	simm.s32 $0x1B80;
	s24 =	simm.s32 $0x1C00;
	s26 =	simm.s32 $0x0  }
0x7: {  	s3 =	smul.u32 $0x140, s0;
	[smem:$0x7FF] =	sst s2;
	s7 =	sand.u32 $0x1, s4  }
0x8: {  	s16 =	sshll.u32 s0, $0x4;
	s31 =	sshll.u32 s0, $0x8;
	s17 =	smul.u32 $0x500, s0  }
0x9: {  	s4 =	sshll.u32 s7, $0x8;
	_ =	strace $0x80000047;
	s7 =	ssub.s32 $0x2, s7  }
0xa: {  	s5 =	sshrl.u32 s3, $0x3;
	s9 =	sor.u32 s16, s4;
	s30 =	sshrl.u32 s7, $0x1  }
0xb: {  	s17 =	sshrl.u32 s17, $0x2;
	s8 =	sadd.s32 s5, s6;
	s5 =	sadd.s32 $0x1E00, s6  }
0xc: {  	s10 =	sshrl.u32 s9, $0x3;
	s9 =	sshll.u32 s9, $0x1;
	s25 =	sadd.s32 $0x300, s17  }
0xd: {  	s13 =	ssub.s32 s7, s30;
	s11 =	sadd.s32 s10, s6;
	s12 =	sadd.s32 s9, s6;
	v4 =	vmov s25  }
0xe: {  	s6 =	sadd.s32 $0x1600, s8;
	s7 =	sadd.s32 $0x1A00, s8;
	s8 =	sadd.s32 s31, s14  }
0xf: {  	s9 =	sadd.s32 s31, s15;
	s13 =	smax.u32 s13, $0x1;
	s14 =	sadd.s32 s16, s14  }
0x10: {  	v0 =	vimm.s32 $0x80000000;
	s15 =	sadd.s32 s16, s15;
	s16 =	simm.s32 $0x1;
	s25 =	simm.s32 $0x1C80  }
0x11: {  	v1 =	vimm.s32 $0x1400;
	v2 =	vlaneseq.u32;
	v3 =	vimm.f32 $0.0e+00;
	s10 =	sadd.s32 $0x2800, s11;
	s11 =	sadd.s32 $0x2200, s11;
	s12 =	sadd.s32 $0x2400, s12  }
.LBB2_1:
0x12: {  	[tilespmem:s2], [sflag:$0x1] =	stream.linear.gather [hbm4b:s6+s2], $0x140, $0x38;
	[tilespmem:$0x1F80] =	vst v63  }
0x13: {  	_ =	swait.ge [sflag:s16], $0x140  }
0x14: {  	[sflag:s16] =	ssyncset.done $0x0  }
0x15: {  	s0 =	simm.s32 $0x180;
	[sflag:s16] =	ssyncadd.s32 $0xFFFFFEC0  }
0x16: {  	[tilespmem:s0], [sflag:$0x1] =	stream.linear.gather [hbm4b:s7+s2], $0x140, $0x38;
	[tilespmem:$0x1F80] =	vst v63  }
0x17: {  	_ =	swait.ge [sflag:s16], $0x140  }
0x18: {  	[sflag:s16] =	ssyncset.done $0x0  }
0x19: {  	s31 =	simm.s32 $0x300;
	[sflag:s16] =	ssyncadd.s32 $0xFFFFFEC0  }
0x1a: {  	[tilespmem:s31], [sflag:$0x1] =	stream.linear.gather [hbm4b:s5+s2], $0x1400, $0x38;
	[tilespmem:$0x1F80] =	vst v63  }
0x1b: {  	_ =	swait.ge [sflag:s16], $0x1400  }
0x1c: {  	[sflag:s16] =	ssyncset.done $0x0  }
0x1d: {  	[sflag:s16] =	ssyncadd.s32 $0xFFFFEC00  }
0x1e: {  	[tilespmem:$0x1780] =	vst v0  }
0x1f: {  	[tilespmem:$0x1900] =	vst v1  }
0x20: {  	[tilespmem:$0x1790] =	vst v0  }
0x21: {  	[tilespmem:$0x1910] =	vst v1  }
0x22: {  	[tilespmem:$0x17A0] =	vst v0  }
0x23: {  	[tilespmem:$0x1920] =	vst v1  }
0x24: {  	[tilespmem:$0x17B0] =	vst v0  }
0x25: {  	[tilespmem:$0x1930] =	vst v1  }
0x26: {  	[tilespmem:$0x17C0] =	vst v0  }
0x27: {  	[tilespmem:$0x1940] =	vst v1  }
0x28: {  	[tilespmem:$0x17D0] =	vst v0  }
0x29: {  	[tilespmem:$0x1950] =	vst v1  }
0x2a: {  	[tilespmem:$0x17E0] =	vst v0  }
0x2b: {  	[tilespmem:$0x1960] =	vst v1  }
0x2c: {  	[tilespmem:$0x17F0] =	vst v0  }
0x2d: {  	[tilespmem:$0x1970] =	vst v1  }
0x2e: {  	[tilespmem:$0x1800] =	vst v0  }
0x2f: {  	[tilespmem:$0x1980] =	vst v1  }
0x30: {  	[tilespmem:$0x1810] =	vst v0  }
0x31: {  	[tilespmem:$0x1990] =	vst v1  }
0x32: {  	[tilespmem:$0x1820] =	vst v0  }
0x33: {  	[tilespmem:$0x19A0] =	vst v1  }
0x34: {  	[tilespmem:$0x1830] =	vst v0  }
0x35: {  	[tilespmem:$0x19B0] =	vst v1  }
0x36: {  	[tilespmem:$0x1840] =	vst v0  }
0x37: {  	[tilespmem:$0x19C0] =	vst v1  }
0x38: {  	[tilespmem:$0x1850] =	vst v0  }
0x39: {  	[tilespmem:$0x19D0] =	vst v1  }
0x3a: {  	[tilespmem:$0x1860] =	vst v0  }
0x3b: {  	[tilespmem:$0x19E0] =	vst v1  }
0x3c: {  	[tilespmem:$0x1870] =	vst v0  }
0x3d: {  	[tilespmem:$0x19F0] =	vst v1  }
0x3e: {  	[tilespmem:$0x1880] =	vst v0  }
0x3f: {  	s28 =	simm.s32 $0x0;
	[tilespmem:$0x1A00] =	vst v1  }
0x40: {  	v5 =	vld [tilespmem:s28+$0x0];
	_ =	sdelay $0x4  }
0x41: {  	(v2sf) =	vpush v5, $0x0;
	_ =	sdelay $0xe  }
0x42: {  	s29 =	spop (v2sf)  }
0x43: {  	s29 =	ssub.s32 s29, s4  }
0x44: {  	p0 =	sgt.s32 s29, $0x0;
	s30 =	smov.u32 s29  }
0x45: {  	s30 =	simm.s32 @!p0 $0x0  }
0x46: {  	v5 =	vld.idx.msk [tilespmem:v4+s28+$0x0 ss:$0x1], $0xffff;
	s31 =	smin.u32 s30, $0xFF  }
0x47: {  	v6 =	vld [tilespmem:s31+$0x1780]  }
0x48: {  	v7 =	vld [tilespmem:s31+$0x1900]  }
0x49: {  	v8 =	vld [tilespmem:s28+$0x180];
	_ =	sdelay $0x1  }
0x4a: {  	(v2sf) =	vpush v5, $0x0  }
0x4b: {  	(v2sf) =	vpush v6, $0x0  }
0x4c: {  	(v2sf) =	vpush v7, $0x0  }
0x4d: {  	(v2sf) =	vpush v8, $0x0;
	_ =	sdelay $0xb  }
0x4e: {  	s28 =	spop (v2sf)  }
0x4f: {  	s30 =	spop (v2sf)  }
0x50: {  	s0 =	spop (v2sf)  }
0x51: {  	p4 =	seq.s32 s28, s30;
	p1 =	slt.s32 s3, s0;
	s1 =	spop (v2sf)  }
0x52: {  	p3 =	slt.u32 s29, $0x100;
	p2 =	seq.s32 s1, $0x1;
	p0 =	por !p4, !p1  }
0x53: {  	p6 =	sgt.s32 s28, s30;
	p5 =	por !p2, !p3;
	p0 =	por !p0, !p0  }
0x54: {  	p1 =	por !p5, !p5;
	p0 =	por p6, p0  }
0x55: {  	p0 =	por !p1, !p0  }
0x56: {  	p0 =	por !p0, !p0  }
0x57: {  	vm0 =	veq.s32 v2, $0x0;
	s0 =	smov.u32 @p0 s3  }
0x58: {  	s30 =	smov.u32 @p0 s28;
	v5 =	vsel vm0, s0, v7  }
0x59: {  	v6 =	vsel vm0, s30, v6;
	[tilespmem:s31+$0x1900] =	vst v5  }
0x5a: {  	s30 =	simm.s32 $0x1;
	[tilespmem:s31+$0x1780] =	vst v6  }
0x5b: {  	s29 =	simm.s32 $0x8;
	s28 =	smov.u32 s3;
	v5 =	vld [tilespmem:s30+$0x0]  }
.LBB2_2:
0x5c: {  	p0 =	sne.s32 s29, $0x4FC;
	v6 =	vld.idx.msk [tilespmem:v4+s30+$0x0 ss:$0x1], $0xffff  }
0x5d: {  	v7 =	vld [tilespmem:s30+$0x180];
	_ =	sdelay $0x2  }
0x5e: {  	(v2sf) =	vpush v5, $0x0;
	_ =	sdelay $0xe  }
0x5f: {  	s0 =	spop (v2sf)  }
0x60: {  	s0 =	ssub.s32 s0, s4  }
0x61: {  	p1 =	sgt.s32 s0, $0x0;
	s1 =	smov.u32 s0  }
0x62: {  	s1 =	simm.s32 @!p1 $0x0  }
0x63: {  	s1 =	smin.u32 s1, $0xFF  }
0x64: {  	v5 =	vld [tilespmem:s1+$0x1780]  }
0x65: {  	v8 =	vld [tilespmem:s1+$0x1900];
	_ =	sdelay $0x2  }
0x66: {  	(v2sf) =	vpush v6, $0x0  }
0x67: {  	(v2sf) =	vpush v5, $0x0  }
0x68: {  	(v2sf) =	vpush v8, $0x0  }
0x69: {  	(v2sf) =	vpush v7, $0x0;
	_ =	sdelay $0xb  }
0x6a: {  	s30 =	spop (v2sf)  }
0x6b: {  	s31 =	spop (v2sf)  }
0x6c: {  	s28 =	sadd.s32 $0x1, s28;
	s17 =	spop (v2sf)  }
0x6d: {  	p1 =	seq.s32 s30, s31;
	p2 =	slt.s32 s28, s17;
	s18 =	spop (v2sf)  }
0x6e: {  	p4 =	slt.u32 s0, $0x100;
	p3 =	seq.s32 s18, $0x1;
	p1 =	por !p1, !p2  }
0x6f: {  	p2 =	por !p3, !p4;
	p3 =	sgt.s32 s30, s31;
	p1 =	por !p1, !p1  }
0x70: {  	p2 =	por !p2, !p2;
	p1 =	por p3, p1  }
0x71: {  	p1 =	por !p2, !p1  }
0x72: {  	p1 =	por !p1, !p1  }
.Ltmp0:
0x73: {  	s31 =	smov.u32 @p1 s30;
	s17 =	smov.u32 @p1 s28;
	(pc) =	sbr.rel @p0 .LBB2_2-.Ltmp0, $4  }
0x74: {  	v5 =	vsel vm0, s31, v5;
	v6 =	vsel vm0, s17, v8  }
0x75: {  	[tilespmem:s1+$0x1900] =	vst v6  }
0x76: {  	s30 =	sshra.s32 s29, $0x2;
	[tilespmem:s1+$0x1780] =	vst v5  }
0x77: {  	s29 =	sadd.s32 $0x4, s29;
	v5 =	vld [tilespmem:s30+$0x0]  }
0x78: {  	_ =	sdelay $0x3  }
0x79: {  	(v2sf) =	vpush v5, $0x0;
	_ =	sdelay $0xe  }
0x7a: {  	s0 =	spop (v2sf)  }
0x7b: {  	s0 =	ssub.s32 s0, s4  }
0x7c: {  	p0 =	sgt.s32 s0, $0x0;
	s1 =	smov.u32 s0  }
0x7d: {  	s1 =	simm.s32 @!p0 $0x0  }
0x7e: {  	v5 =	vld.idx.msk [tilespmem:v4+s30+$0x0 ss:$0x1], $0xffff;
	s1 =	smin.u32 s1, $0xFF  }
0x7f: {  	v6 =	vld [tilespmem:s1+$0x1780]  }
0x80: {  	v7 =	vld [tilespmem:s1+$0x1900]  }
0x81: {  	v8 =	vld [tilespmem:s30+$0x180];
	_ =	sdelay $0x1  }
0x82: {  	(v2sf) =	vpush v5, $0x0  }
0x83: {  	(v2sf) =	vpush v6, $0x0  }
0x84: {  	(v2sf) =	vpush v7, $0x0  }
0x85: {  	(v2sf) =	vpush v8, $0x0;
	_ =	sdelay $0xb  }
0x86: {  	s17 =	spop (v2sf)  }
0x87: {  	s18 =	spop (v2sf)  }
0x88: {  	s28 =	sadd.s32 $0x1, s28;
	s29 =	spop (v2sf)  }
0x89: {  	p4 =	seq.s32 s17, s18;
	p1 =	slt.s32 s28, s29;
	s31 =	spop (v2sf)  }
0x8a: {  	p3 =	slt.u32 s0, $0x100;
	p2 =	seq.s32 s31, $0x1;
	p0 =	por !p4, !p1  }
0x8b: {  	p6 =	sgt.s32 s17, s18;
	p5 =	por !p2, !p3;
	p0 =	por !p0, !p0  }
0x8c: {  	p1 =	por !p5, !p5;
	p0 =	por p6, p0  }
0x8d: {  	p0 =	por !p1, !p0  }
0x8e: {  	p0 =	por !p0, !p0  }
0x8f: {  	vm0 =	veq.s32 v2, $0x0;
	s29 =	smov.u32 @p0 s28  }
0x90: {  	s18 =	smov.u32 @p0 s17;
	v5 =	vsel vm0, s29, v7  }
0x91: {  	v6 =	vsel vm0, s18, v6;
	[tilespmem:s1+$0x1900] =	vst v5  }
0x92: {  	[tilespmem:s1+$0x1780] =	vst v6  }
0x93: {  	[spmem:s8] =	stream.linear.scatter [tilespmem:s19], [sflag:$0x1], $0x100, $0x38;
	[tilespmem:$0x1F80] =	vst v63  }
0x94: {  	_ =	swait.ge [sflag:s16], $0x100  }
0x95: {  	[sflag:s16] =	ssyncset.done $0x0  }
0x96: {  	[sflag:s16] =	ssyncadd.s32 $0xFFFFFF00  }
0x97: {  	[spmem:s9] =	stream.linear.scatter [tilespmem:s20], [sflag:$0x1], $0x100, $0x38;
	[tilespmem:$0x1F80] =	vst v63  }
0x98: {  	_ =	swait.ge [sflag:s16], $0x100  }
0x99: {  	[sflag:s16] =	ssyncset.done $0x0  }
0x9a: {  	[sflag:s16] =	ssyncadd.s32 $0xFFFFFF00  }
0x9b: {  	s18 =	sadd.s32 $0x0, s14;
	[bflag:$0x0] =	sbarrier.arrive $0xFFFF  }
0x9c: {  	[tilespmem:s21], [sflag:$0x1] =	stream.linear.gather [spmem:s18], $0x10, $0x38;
	[tilespmem:$0x1F80] =	vst v63  }
0x9d: {  	_ =	swait.ge [sflag:s16], $0x10  }
0x9e: {  	[sflag:s16] =	ssyncset.done $0x0  }
0x9f: {  	s29 =	sadd.s32 $0x0, s15;
	[sflag:s16] =	ssyncadd.s32 $0xFFFFFFF0  }
0xa0: {  	[tilespmem:s22], [sflag:$0x1] =	stream.linear.gather [spmem:s29], $0x10, $0x38;
	[tilespmem:$0x1F80] =	vst v63  }
0xa1: {  	_ =	swait.ge [sflag:s16], $0x10  }
0xa2: {  	[sflag:s16] =	ssyncset.done $0x0  }
0xa3: {  	[sflag:s16] =	ssyncadd.s32 $0xFFFFFFF0  }
0xa4: {  	v5 =	vld [tilespmem:$0x1A80]  }
0xa5: {  	s30 =	sadd.s32 $0x100, s14;
	v6 =	vld [tilespmem:$0x1B00]  }
0xa6: {  	[tilespmem:s21], [sflag:$0x1] =	stream.linear.gather [spmem:s30], $0x10, $0x38;
	[tilespmem:$0x1F80] =	vst v63  }
0xa7: {  	_ =	swait.ge [sflag:s16], $0x10  }
0xa8: {  	[sflag:s16] =	ssyncset.done $0x0  }
0xa9: {  	v8 =	vimm.s32 $0x1400;
	s31 =	sadd.s32 $0x100, s15;
	v7 =	vimm.s32 $0x80000000;
	[sflag:s16] =	ssyncadd.s32 $0xFFFFFFF0  }
0xaa: {  	[tilespmem:s22], [sflag:$0x1] =	stream.linear.gather [spmem:s31], $0x10, $0x38;
	vm1 =	veq.s32 v5, v7;
	vm2 =	vlt.s32 v6, v8;
	[tilespmem:$0x1F80] =	vst v63  }
0xab: {  	s28 =	simm.s32 $0x800;
	vm0 =	vgt.s32 v5, v7;
	_ =	swait.ge [sflag:s16], $0x10;
	vm1 =	vmand vm1, vm2  }
.LBB2_4:
0xac: {  	p0 =	sne.s32 s28, $0x3C00  }
0xad: {  	[sflag:s16] =	ssyncset.done $0x0;
	vm0 =	vmor vm0, vm1;
	s0 =	smov.u32 s28;
	s28 =	sadd.s32 $0x400, s28  }
0xae: {  	[sflag:s16] =	ssyncadd.s32 $0xFFFFFFF0;
	v7 =	vsel vm0, v5, v7;
	v8 =	vsel vm0, v6, v8  }
0xaf: {  	s0 =	sshra.s32 s0, $0x2;
	v5 =	vld [tilespmem:$0x1A80]  }
0xb0: {  	s1 =	sadd.s32 s0, s14;
	v6 =	vld [tilespmem:$0x1B00]  }
0xb1: {  	[tilespmem:s21], [sflag:$0x1] =	stream.linear.gather [spmem:s1], $0x10, $0x38;
	[tilespmem:$0x1F80] =	vst v63  }
.Ltmp1:
0xb2: {  	_ =	swait.ge [sflag:s16], $0x10;
	(pc) =	sbr.rel @p0 .LBB2_4-.Ltmp1, $4  }
0xb3: {  	[sflag:s16] =	ssyncset.done $0x0  }
0xb4: {  	s0 =	sadd.s32 s0, s15;
	[sflag:s16] =	ssyncadd.s32 $0xFFFFFFF0;
	vm1 =	veq.s32 v5, v7  }
0xb5: {  	vm0 =	vgt.s32 v5, v7;
	[tilespmem:s22], [sflag:$0x1] =	stream.linear.gather [spmem:s0], $0x10, $0x38;
	vm2 =	vlt.s32 v6, v8;
	[tilespmem:$0x1F80] =	vst v63  }
0xb6: {  	_ =	swait.ge [sflag:s16], $0x10;
	vm1 =	vmand vm1, vm2  }
0xb7: {  	[sflag:s16] =	ssyncset.done $0x0  }
0xb8: {  	[sflag:s16] =	ssyncadd.s32 $0xFFFFFFF0  }
0xb9: {  	v9 =	vld [tilespmem:$0x1A80]  }
0xba: {  	v10 =	vld [tilespmem:$0x1B00];
	_ =	sdelay $0x2  }
0xbb: {  	vm0 =	vmor vm0, vm1  }
0xbc: {  	v5 =	vsel vm0, v5, v7;
	v6 =	vsel vm0, v6, v8  }
0xbd: {  	vm14 =	veq.s32 v9, v5;
	vm15 =	vlt.s32 v10, v6  }
0xbe: {  	vm2 =	vgt.s32 v9, v5;
	vm0 =	vmand vm14, vm15  }
0xbf: {  	vm0 =	vmor vm2, vm0  }
0xc0: {  	v5 =	vsel vm0, v9, v5  }
0xc1: {  	v6 =	vsel vm0, v10, v6;
	[tilespmem:$0x1B80] =	vst v5  }
0xc2: {  	s28 =	simm.s32 $0x0;
	[tilespmem:$0x1C00] =	vst v6  }
0xc3: {  	[hbm4b:s10+s28] =	stream.linear.scatter [tilespmem:s23], [sflag:$0x1], $0x10, $0x38;
	[tilespmem:$0x1F80] =	vst v63  }
0xc4: {  	_ =	swait.ge [sflag:s16], $0x10  }
0xc5: {  	[sflag:s16] =	ssyncset.done $0x0  }
0xc6: {  	[sflag:s16] =	ssyncadd.s32 $0xFFFFFFF0  }
0xc7: {  	[hbm4b:s11+s28] =	stream.linear.scatter [tilespmem:s24], [sflag:$0x1], $0x10, $0x38;
	[tilespmem:$0x1F80] =	vst v63  }
0xc8: {  	_ =	swait.ge [sflag:s16], $0x10  }
0xc9: {  	[sflag:s16] =	ssyncset.done $0x0  }
0xca: {  	s29 =	simm.s32 $0x0;
	[sflag:s16] =	ssyncadd.s32 $0xFFFFFFF0  }
.LBB2_6:
0xcb: {  	v6 =	vld [tilespmem:s29+$0x1B80];
	_ =	sdelay $0x4  }
0xcc: {  	(v2sf) =	vpush v6, $0x0;
	_ =	sdelay $0xd  }
0xcd: {  	v5 =	vld.msk [tilespmem:s29+$0x1C00 ss:$0x0], $0xffff;
	s0 =	simm.s32 $0x300  }
0xce: {  	v9 =	vld [tilespmem:s0+$0x0];
	s1 =	spop (v2sf)  }
0xcf: {  	s18 =	sand.u32 $0xC0000000, s1  }
0xd0: {  	p0 =	seq.s32 s18, $0x40000000;
	s0 =	sadd.s32 $0x40000000, s18  }
0xd1: {  	v10 =	vor.u32 s28, v2;
	v7 =	vbroadcast v6, $0x0;
	s0 =	simm.s32 @p0 $0x7FFFFFFF  }
0xd2: {  	v6 =	vimm.f32 $0.0e+00;
	vm0 =	vlt.s32 v10, v5;
	v8 =	vmov s0  }
0xd3: {  	s30 =	simm.s32 $0x10;
	s31 =	simm.s32 $0x310;
	vm1 =	vgt.s32 v9, v7;
	vm3 =	veq.s32 v9, v7;
	vm2 =	vlt.s32 v9, v8  }
.LBB2_7:
0xd4: {  	v9 =	vld [tilespmem:s31+$0x0];
	p0 =	sne.s32 s30, $0x13F0;
	vm1 =	vmand vm1, vm2;
	vm0 =	vmand vm0, vm3;
	s0 =	smov.u32 s30;
	s30 =	sadd.s32 $0x10, s30  }
.Ltmp2:
0xd5: {  	vm0 =	vmor vm1, vm0;
	(pc) =	sbr.rel @p0 .LBB2_7-.Ltmp2, $4  }
0xd6: {  	v10 =	vsel vm0, $0x3F800000, v3  }
0xd7: {  	v11 =	vor.u32 s0, v2;
	v6 =	vadd.f32 v10, v6  }
0xd8: {  	vm0 =	vlt.s32 v11, v5  }
0xd9: {  	s31 =	sadd.s32 $0x10, s31;
	vm1 =	vgt.s32 v9, v7;
	vm2 =	vlt.s32 v9, v8;
	vm3 =	veq.s32 v9, v7  }
0xda: {  	s0 =	sshll.u32 s29, $0x4;
	s29 =	sadd.s32 $0x1, s29  }
0xdb: {  	vm1 =	vmand vm1, vm2;
	vm0 =	vmand vm0, vm3;
	p0 =	sne.s32 s29, $0x10  }
.Ltmp3:
0xdc: {  	vm0 =	vmor vm1, vm0;
	(pc) =	sbr.rel @p0 .LBB2_6-.Ltmp3, $4  }
0xdd: {  	v5 =	vsel vm0, $0x3F800000, v3  }
0xde: {  	v5 =	vadd.f32 v5, v6  }
0xdf: {  	s0 =	sand.u32 $0x3FFFFFF0, s0  }
0xe0: {  	[tilespmem:s0+$0x1C80] =	vst v5  }
0xe1: {  	s26 =	sadd.s32 $0x1, s26  }
0xe2: {  	p0 =	sne.s32 s26, s13  }
.Ltmp4:
0xe3: {  	_ = 	snop;
	(pc) =	sbr.rel @p0 .LBB2_1-.Ltmp4, $4  }
0xe4: {  	[hbm4b:s12+s2] =	stream.linear.scatter [tilespmem:s25], [sflag:$0x1], $0x100, $0x38;
	[tilespmem:$0x1F80] =	vst v63  }
0xe5: {  	_ =	swait.ge [sflag:s16], $0x100  }
0xe6: {  	[sflag:s16] =	ssyncset.done $0x0  }
0xe7: {  	[sflag:s16] =	ssyncadd.s32 $0xFFFFFF00  }
0xe8: {  	_ =	sfence.sel $0x180000  }
0xe9: {  	[bflag:$0x0] =	sbarrier.arrive $0xFFFF  }
0xea: {  	_ =	strace $0x90000047  }
0xeb: {  	s0 =	stileid.u32;
	[bflag:$0x2] =	sbarrier.arrive $0xFFFF  }
0xec: {  	p0 =	sne.s32 s0, $0x0;
	s0 =	rddreg [dreg:$0x3]  }
0xed: {  	s0 =	sadd.s32 @!p0 $0x100000, s0  }
0xee: {  	[sflag:s0] =	ssyncadd.tile.s32 @!p0 $0x1;
	_ =	shalt  }
.Lfunc_end2:
_tile_overlayer_lowered:
.L_overlay_start_2:
0xef: {  	(tag) =	ssettag $0x2  }
0xf0: {  	s0 =	rddreg [dreg:$0x0];
	s2 =	stileid.u32  }
0xf1: {  	s1 =	rddreg [dreg:$0x1];
	p0 =	sne.s32 s2, $0x0  }
0xf2: {  	s3 =	rddreg [dreg:$0x2];
	[bflag:$0x3] =	sbarrier.arrive $0xFFFF;
	s2 =	simm.s32 @!p0 $0x1C01  }
0xf3: {  	[timem:s3], [sflag:s2] =	dma.local @!p0 [hbm:s0], s1  }
0xf4: {  	s0 =	simm.s32 @!p0 $0x1  }
0xf5: {  	_ =	swait.ge @!p0 [sflag:s0], s1  }
0xf6: {  	s1 =	ssub.s32 @!p0 $0x0, s1;
	[sflag:s0] =	ssyncset.done @!p0 $0x0  }
0xf7: {  	[sflag:s0] =	ssyncadd.s32 @!p0 s1  }
0xf8: {  	[bflag:$0x3] =	sbarrier.arrive $0xFFFF  }
0xf9: {  	_ =	shalt  }

</sc_bundles>
